<compile_context>
chip_gen: v7x
topology: tpu7x:2x2x1
jax: 0.10.2.dev20260603
libtpu: 0.0.44.dev20260713+nightly
codegen_flags: <defaults>
</compile_context>

<pallas_src>
import functools

import jax
import jax.numpy as jnp
from jax import lax
from jax.experimental import pallas as pl
from jax.experimental.pallas import tpu as pltpu
from jax.experimental.pallas import tpu_sc as plsc

NC = 2
NS = 16
LB = 128
DW = 8


def _tc_z(x, W1, W2):
    n, f = x.shape
    nh = W1.shape[1]
    ncls = W2.shape[1]
    nb = 5
    br = n // nb

    def body(x_ref, w1_ref, w2_ref, z_ref):
        wc = jnp.dot(w1_ref[...], w2_ref[...], preferred_element_type=jnp.float32)
        z_ref[...] = jnp.dot(x_ref[...], wc, preferred_element_type=jnp.float32)

    return pl.pallas_call(
        body,
        grid=(nb,),
        in_specs=[
            pl.BlockSpec((br, f), lambda i: (i, 0)),
            pl.BlockSpec((f, nh), lambda i: (0, 0)),
            pl.BlockSpec((nh, ncls), lambda i: (0, 0)),
        ],
        out_specs=pl.BlockSpec((br, ncls), lambda i: (i, 0)),
        out_shape=jax.ShapeDtypeStruct((n, ncls), jnp.float32),
    )(x, W1, W2)


def _rsqrt16(x):
    i = plsc.bitcast(x, jnp.int32)
    i = jnp.int32(0x5F3759DF) - lax.shift_right_logical(i, 1)
    y = plsc.bitcast(i, jnp.float32)
    for _ in range(3):
        y = y * (1.5 - 0.5 * x * y * y)
    return y


def _make_sc_kernel(n, n_pad, rt):
    npw = n_pad // NS
    fpw = 2 * npw // NC
    nw_full = (2 * n) // fpw
    rem = 2 * n - nw_full * fpw

    @functools.partial(
        pl.kernel,
        out_type=jax.ShapeDtypeStruct((2 * n,), jnp.float32),
        mesh=plsc.VectorSubcoreMesh(core_axis_name="c", subcore_axis_name="s"),
        scratch_types=[
            pltpu.VMEM((rt, LB), jnp.int32),
            pltpu.VMEM((rt, LB), jnp.int32),
            pltpu.VMEM((2 * n_pad,), jnp.float32),
            pltpu.VMEM((n_pad,), jnp.float32),
            pltpu.VMEM((2 * n_pad,), jnp.float32),
            pltpu.VMEM((NS, fpw), jnp.float32),
            pltpu.VMEM((fpw,), jnp.float32),
            pltpu.VMEM((npw,), jnp.float32),
            pltpu.VMEM((npw,), jnp.float32),
            pltpu.VMEM((fpw,), jnp.float32),
            pltpu.VMEM((LB,), jnp.float32),
            pltpu.VMEM((128,), jnp.float32),
            pltpu.VMEM((256,), jnp.float32),
            pltpu.VMEM((8,), jnp.float32),
            pltpu.VMEM_SHARED((n_pad,), jnp.float32),
            pltpu.VMEM_SHARED((n_pad,), jnp.float32),
            pltpu.VMEM_SHARED((NS, 2 * n_pad), jnp.float32),
            pltpu.SemaphoreType.DMA,
            pltpu.SemaphoreType.DMA,
        ],
        compiler_params=pltpu.CompilerParams(needs_layout_passes=False),
    )
    def sc_kernel(src_hbm, dst_hbm, zf_hbm, dinit_hbm, zeros_hbm, ones_hbm,
                  b1_hbm, w2_hbm, b2_hbm, out_hbm,
                  src_v, dst_v, z_v, dis_v, acc_v, mb_v, asum_v,
                  degs_v, diss_v, out_v, ones_v,
                  b1_v, w2_v, b2_v, deg_sh, dis_sh, acc_all,
                  sem_in, sem):
        c = lax.axis_index("c")
        s = lax.axis_index("s")
        w = c * NS + s
        lanes = lax.iota(jnp.int32, 16)

        cps = [
            pltpu.async_copy(src_hbm.at[s], src_v, sem_in),
            pltpu.async_copy(dst_hbm.at[s], dst_v, sem_in),
            pltpu.async_copy(zf_hbm, z_v.at[pl.ds(0, 2 * n)], sem_in),
            pltpu.async_copy(ones_hbm, ones_v, sem_in),
            pltpu.async_copy(b1_hbm, b1_v, sem_in),
            pltpu.async_copy(w2_hbm, w2_v, sem_in),
            pltpu.async_copy(b2_hbm, b2_v, sem_in),
        ]

        pltpu.sync_copy(zeros_hbm, acc_v.at[pl.ds(0, n_pad)])
        pltpu.sync_copy(zeros_hbm, acc_v.at[pl.ds(n_pad, n_pad)])

        for cp in cps:
            cp.wait()

        onesf = jnp.ones((16,), jnp.float32)

        def deg_body(j, carry):
            for k in range(LB // 16):
                d16 = dst_v[j, pl.ds(k * 16, 16)]
                plsc.addupdate_scatter(acc_v, [d16], onesf)
            return carry

        lax.fori_loop(0, rt, deg_body, 0, unroll=False)
        pltpu.sync_copy(acc_v.at[pl.ds(0, n_pad)],
                        acc_all.at[s, pl.ds(0, n_pad)])
        plsc.subcore_barrier()

        pltpu.sync_copy(acc_all.at[:, pl.ds(npw * s, npw)], mb_v.at[:, pl.ds(0, npw)])

        def dis_body(g, carry):
            base = g * 16
            degv = mb_v[0, pl.ds(base, 16)]
            for q in range(1, NS):
                degv = degv + mb_v[q, pl.ds(base, 16)]
            diss_v[pl.ds(base, 16)] = _rsqrt16(degv + 1.0)
            return carry

        lax.fori_loop(0, npw // 16, dis_body, 0, unroll=False)
        pltpu.sync_copy(diss_v, dis_sh.at[pl.ds(npw * s, npw)])
        pltpu.sync_copy(zeros_hbm, acc_v.at[pl.ds(0, n_pad)])
        plsc.subcore_barrier()
        pltpu.sync_copy(dis_sh, dis_v)

        def edge_body(j, carry):
            for k in range(LB // 16):
                s16 = src_v[j, pl.ds(k * 16, 16)]
                d16 = dst_v[j, pl.ds(k * 16, 16)]
                fi = s16 * 2
                di = d16 * 2
                g0 = plsc.load_gather(z_v, [fi])
                g1 = plsc.load_gather(z_v, [fi + 1])
                dv = plsc.load_gather(dis_v, [s16])
                plsc.addupdate_scatter(acc_v, [di], g0 * dv)
                plsc.addupdate_scatter(acc_v, [di + 1], g1 * dv)
            return carry

        lax.fori_loop(0, rt, edge_body, 0, unroll=False)
        pltpu.sync_copy(acc_v, acc_all.at[s])
        plsc.subcore_barrier()

        def brow_vec(col):
            p = jnp.zeros((16,), jnp.float32)
            for k in range(8):
                bv = b1_v[pl.ds(k * 16, 16)]
                wv = plsc.load_gather(w2_v, [(lanes + k * 16) * 2 + col])
                p = p + bv * wv
            b2v = plsc.load_gather(b2_v, [jnp.full((16,), col, jnp.int32)])
            return jnp.broadcast_to(jnp.sum(p), (16,)) + b2v

        brow0 = brow_vec(0)
        brow1 = brow_vec(1)

        node_lo = (fpw // 2) * w
        pltpu.sync_copy(acc_all.at[:, pl.ds(2 * node_lo, fpw)], mb_v)

        def sum_body(g, carry):
            base = g * 16
            acc16 = mb_v[0, pl.ds(base, 16)]
            for q in range(1, NS):
                acc16 = acc16 + mb_v[q, pl.ds(base, 16)]
            asum_v[pl.ds(base, 16)] = acc16
            return carry

        lax.fori_loop(0, fpw // 16, sum_body, 0, unroll=False)

        def fin_body(g, carry):
            base = g * 16
            bl2 = (base + lanes) * 2
            a0 = plsc.load_gather(asum_v, [bl2])
            a1 = plsc.load_gather(asum_v, [bl2 + 1])
            d = dis_v[pl.ds(node_lo + base, 16)]
            node16 = node_lo + base + lanes
            z0 = plsc.load_gather(z_v, [node16 * 2])
            z1 = plsc.load_gather(z_v, [node16 * 2 + 1])
            o0 = d * (a0 + z0 * d) + brow0
            o1 = d * (a1 + z1 * d) + brow1
            oi = (base + lanes) * 2
            plsc.store_scatter(out_v, [oi], o0)
            plsc.store_scatter(out_v, [oi + 1], o1)
            return carry

        lax.fori_loop(0, fpw // 2 // 16, fin_body, 0, unroll=False)

        @pl.when(w < nw_full)
        def _():
            pltpu.sync_copy(out_v, out_hbm.at[pl.ds(2 * node_lo, fpw)])

        if rem > 0:
            @pl.when(w == nw_full)
            def _():
                pltpu.sync_copy(out_v.at[pl.ds(0, rem)],
                                out_hbm.at[pl.ds(2 * node_lo, rem)])

    return sc_kernel


def kernel(x, edge_index, W1, b1, W2, b2):
    n, f = x.shape
    e = edge_index.shape[1]
    ncls = W2.shape[1]

    n_pad = ((n + 8 + 2047) // 2048) * 2048
    rt = (e + NS * LB - 1) // (NS * LB)
    rt = rt + (rt & 1)
    e_pad = NS * rt * LB

    src = edge_index[0]
    dst = edge_index[1]
    pad_idx = jnp.full((e_pad - e,), n, dtype=jnp.int32)
    src_p = jnp.concatenate([src, pad_idx]).reshape(NS, rt, LB)
    dst_p = jnp.concatenate([dst, pad_idx]).reshape(NS, rt, LB)
    dinit = jnp.pad(jnp.ones((n,), jnp.float32), (0, n_pad - n))
    zeros1 = jnp.zeros((n_pad,), jnp.float32)
    ones_lb = jnp.ones((LB,), jnp.float32)

    z = _tc_z(x, W1, W2)
    outf = _make_sc_kernel(n, n_pad, rt)(
        src_p, dst_p, z.reshape(-1), dinit, zeros1, ones_lb,
        b1, W2.reshape(-1), jnp.pad(b2, (0, 8 - ncls)))
    return outf.reshape(n, ncls)

# --- scband reference (transcript-rebuilt; emitter-appended) ---
"""Pipeline reference for scband-gcn-19928648253615 (READ-ONLY COPY).

The authoritative reference and input builder live on the scoring server;
editing this copy changes nothing except your own understanding.
"""

import jax, jax.numpy as jnp
import numpy as np

N = 10000
E = 320000
NFEAT = 128
NHID = 128
NCLASS = 2


def setup_inputs(seed: int = 0) -> dict:
    key = jax.random.key(seed)
    k1, k2, k3, k4 = jax.random.split(key, 4)
    x = jax.random.normal(k1, (N, NFEAT), dtype=jnp.float32)
    edge_index = jax.random.randint(k2, (2, E), 0, N, dtype=jnp.int32)
    # GCNConv weight (glorot) and bias
    lim1 = float(np.sqrt(6.0 / (NFEAT + NHID)))
    W1 = jax.random.uniform(k3, (NFEAT, NHID), minval=-lim1, maxval=lim1, dtype=jnp.float32)
    b1 = jnp.zeros((NHID,), dtype=jnp.float32)
    # fc linear (xavier uniform, zero bias per weights_init)
    lim2 = float(np.sqrt(6.0 / (NHID + NCLASS)))
    W2 = jax.random.uniform(k4, (NHID, NCLASS), minval=-lim2, maxval=lim2, dtype=jnp.float32)
    b2 = jnp.zeros((NCLASS,), dtype=jnp.float32)
    return {"x": x, "edge_index": edge_index, "W1": W1, "b1": b1, "W2": W2, "b2": b2}


def _gcn_conv(x, edge_index, W, b):
    n = x.shape[0]
    src = edge_index[0]
    dst = edge_index[1]
    # add self loops (fill_value = 1)
    loop = jnp.arange(n, dtype=src.dtype)
    src = jnp.concatenate([src, loop])
    dst = jnp.concatenate([dst, loop])
    # symmetric normalization: deg computed on dst (col) as in PyG gcn_norm
    deg = jnp.zeros((n,), dtype=x.dtype).at[dst].add(1.0)
    deg_inv_sqrt = jnp.where(deg > 0, deg ** -0.5, 0.0)
    norm = deg_inv_sqrt[src] * deg_inv_sqrt[dst]
    xw = x @ W
    msgs = jnp.take(xw, src, axis=0) * norm[:, None]
    out = jnp.zeros((n, W.shape[1]), dtype=x.dtype).at[dst].add(msgs)
    return out + b


def reference(x, edge_index, W1, b1, W2, b2):
    h = _gcn_conv(x, edge_index, W1, b1)  # GCN_Body.gc1 (no activation)
    out = h @ W2 + b2                      # self.fc
    return out

if __name__ == "__main__":
    import jax
    _d = setup_inputs()
    print(jax.jit(kernel)(*tuple(_d.values())))

</pallas_src>

<mosaic_0001>
#map = affine_map<(d0, d1) -> (0, 0, 0)>
#map1 = affine_map<(d0, d1) -> (0)>
module attributes {stable_mosaic.version = 14 : i64} {
  func.func @sc_kernel(%arg0: i32, %arg1: i32, %arg2: memref<16x158x128xi32, #tpu.memory_space<hbm>>, %arg3: memref<16x158x128xi32, #tpu.memory_space<hbm>>, %arg4: memref<20000xf32, #tpu.memory_space<hbm>>, %arg5: memref<10240xf32, #tpu.memory_space<hbm>>, %arg6: memref<10240xf32, #tpu.memory_space<hbm>>, %arg7: memref<128xf32, #tpu.memory_space<hbm>>, %arg8: memref<128xf32, #tpu.memory_space<hbm>>, %arg9: memref<256xf32, #tpu.memory_space<hbm>>, %arg10: memref<8xf32, #tpu.memory_space<hbm>>, %arg11: memref<20000xf32, #tpu.memory_space<hbm>>, %arg12: memref<158x128xi32, #tpu.memory_space<vmem>>, %arg13: memref<158x128xi32, #tpu.memory_space<vmem>>, %arg14: memref<20480xf32, #tpu.memory_space<vmem>>, %arg15: memref<10240xf32, #tpu.memory_space<vmem>>, %arg16: memref<20480xf32, #tpu.memory_space<vmem>>, %arg17: memref<16x640xf32, #tpu.memory_space<vmem>>, %arg18: memref<640xf32, #tpu.memory_space<vmem>>, %arg19: memref<640xf32, #tpu.memory_space<vmem>>, %arg20: memref<640xf32, #tpu.memory_space<vmem>>, %arg21: memref<640xf32, #tpu.memory_space<vmem>>, %arg22: memref<128xf32, #tpu.memory_space<vmem>>, %arg23: memref<128xf32, #tpu.memory_space<vmem>>, %arg24: memref<256xf32, #tpu.memory_space<vmem>>, %arg25: memref<8xf32, #tpu.memory_space<vmem>>, %arg26: memref<10240xf32, #tpu.memory_space<vmem_shared>>, %arg27: memref<10240xf32, #tpu.memory_space<vmem_shared>>, %arg28: memref<16x20480xf32, #tpu.memory_space<vmem_shared>>, %arg29: memref<!tpu.dma_semaphore, #tpu.memory_space<semaphore_mem>>, %arg30: memref<!tpu.dma_semaphore, #tpu.memory_space<semaphore_mem>>) attributes {dimension_semantics = [#tpu.dimension_semantics<core_parallel>, #tpu.dimension_semantics<subcore_parallel>], iteration_bounds = array<i64: 2, 16>, scalar_prefetch = 0 : i64, scratch_operands = 19 : i64, tpu.core_type = #tpu.core_type<sc_vector_subcore>, window_params = [{transform_indices = #map}, {transform_indices = #map}, {transform_indices = #map1}, {transform_indices = #map1}, {transform_indices = #map1}, {transform_indices = #map1}, {transform_indices = #map1}, {transform_indices = #map1}, {transform_indices = #map1}, {transform_indices = #map1}]} {
    %mul3A = arith.constant 16 : i32
    %mul3A_0 = arith.muli %arg0, %mul3A : i32
    %add3A = arith.addi %mul3A_0, %arg1 : i32
    %iota3A = tpu.iota {dimensions = array<i32: 0>} : vector<16xi32>
    %dma_start3A = arith.constant 0 : i32
    %dma_start3A_1 = arith.constant 0 : i32
    %dma_start3A_2 = tpu.memref_slice %arg2[%arg1, %dma_start3A, %dma_start3A_1] : memref<16x158x128xi32, #tpu.memory_space<hbm>> -> memref<1x158x128xi32, #tpu.memory_space<hbm>>
    %dma_start3A_3 = tpu.memref_squeeze %dma_start3A_2 : memref<1x158x128xi32, #tpu.memory_space<hbm>> -> memref<158x128xi32, #tpu.memory_space<hbm>>
    %dma_start3A_4 = arith.constant 0 : i32
    %dma_start3A_5 = arith.constant 0 : i32
    %dma_start3A_6 = tpu.memref_slice %arg2[%arg1, %dma_start3A_4, %dma_start3A_5] : memref<16x158x128xi32, #tpu.memory_space<hbm>> -> memref<1x158x128xi32, #tpu.memory_space<hbm>>
    %dma_start3A_7 = tpu.memref_squeeze %dma_start3A_6 : memref<1x158x128xi32, #tpu.memory_space<hbm>> -> memref<158x128xi32, #tpu.memory_space<hbm>>
    tpu.enqueue_dma source(%dma_start3A_7 : memref<158x128xi32, #tpu.memory_space<hbm>>) target(%arg12 : memref<158x128xi32, #tpu.memory_space<vmem>>) target_semaphore(%arg29 : memref<!tpu.dma_semaphore, #tpu.memory_space<semaphore_mem>>)
    %dma_start3A_8 = arith.constant 0 : i32
    %dma_start3A_9 = arith.constant 0 : i32
    %dma_start3A_10 = tpu.memref_slice %arg3[%arg1, %dma_start3A_8, %dma_start3A_9] : memref<16x158x128xi32, #tpu.memory_space<hbm>> -> memref<1x158x128xi32, #tpu.memory_space<hbm>>
    %dma_start3A_11 = tpu.memref_squeeze %dma_start3A_10 : memref<1x158x128xi32, #tpu.memory_space<hbm>> -> memref<158x128xi32, #tpu.memory_space<hbm>>
    %dma_start3A_12 = arith.constant 0 : i32
    %dma_start3A_13 = arith.constant 0 : i32
    %dma_start3A_14 = tpu.memref_slice %arg3[%arg1, %dma_start3A_12, %dma_start3A_13] : memref<16x158x128xi32, #tpu.memory_space<hbm>> -> memref<1x158x128xi32, #tpu.memory_space<hbm>>
    %dma_start3A_15 = tpu.memref_squeeze %dma_start3A_14 : memref<1x158x128xi32, #tpu.memory_space<hbm>> -> memref<158x128xi32, #tpu.memory_space<hbm>>
    tpu.enqueue_dma source(%dma_start3A_15 : memref<158x128xi32, #tpu.memory_space<hbm>>) target(%arg13 : memref<158x128xi32, #tpu.memory_space<vmem>>) target_semaphore(%arg29 : memref<!tpu.dma_semaphore, #tpu.memory_space<semaphore_mem>>)
    %dma_start3A_16 = arith.constant 0 : i32
    %dma_start3A_17 = tpu.memref_slice %arg14[%dma_start3A_16] : memref<20480xf32, #tpu.memory_space<vmem>> -> memref<20000xf32, #tpu.memory_space<vmem>>
    %dma_start3A_18 = arith.constant 0 : i32
    %dma_start3A_19 = tpu.memref_slice %arg14[%dma_start3A_18] : memref<20480xf32, #tpu.memory_space<vmem>> -> memref<20000xf32, #tpu.memory_space<vmem>>
    tpu.enqueue_dma source(%arg4 : memref<20000xf32, #tpu.memory_space<hbm>>) target(%dma_start3A_19 : memref<20000xf32, #tpu.memory_space<vmem>>) target_semaphore(%arg29 : memref<!tpu.dma_semaphore, #tpu.memory_space<semaphore_mem>>)
    tpu.enqueue_dma source(%arg7 : memref<128xf32, #tpu.memory_space<hbm>>) target(%arg22 : memref<128xf32, #tpu.memory_space<vmem>>) target_semaphore(%arg29 : memref<!tpu.dma_semaphore, #tpu.memory_space<semaphore_mem>>)
    tpu.enqueue_dma source(%arg8 : memref<128xf32, #tpu.memory_space<hbm>>) target(%arg23 : memref<128xf32, #tpu.memory_space<vmem>>) target_semaphore(%arg29 : memref<!tpu.dma_semaphore, #tpu.memory_space<semaphore_mem>>)
    tpu.enqueue_dma source(%arg9 : memref<256xf32, #tpu.memory_space<hbm>>) target(%arg24 : memref<256xf32, #tpu.memory_space<vmem>>) target_semaphore(%arg29 : memref<!tpu.dma_semaphore, #tpu.memory_space<semaphore_mem>>)
    tpu.enqueue_dma source(%arg10 : memref<8xf32, #tpu.memory_space<hbm>>) target(%arg25 : memref<8xf32, #tpu.memory_space<vmem>>) target_semaphore(%arg29 : memref<!tpu.dma_semaphore, #tpu.memory_space<semaphore_mem>>)
    "tpu.region"() ({
      %run_scoped3A = tpu.sem_alloc : memref<!tpu.dma_semaphore, #tpu.memory_space<semaphore_mem>>
      %dma_start3A_328 = arith.constant 0 : i32
      %dma_start3A_329 = tpu.memref_slice %arg16[%dma_start3A_328] : memref<20480xf32, #tpu.memory_space<vmem>> -> memref<10240xf32, #tpu.memory_space<vmem>>
      %dma_start3A_330 = arith.constant 0 : i32
      %dma_start3A_331 = tpu.memref_slice %arg16[%dma_start3A_330] : memref<20480xf32, #tpu.memory_space<vmem>> -> memref<10240xf32, #tpu.memory_space<vmem>>
      tpu.enqueue_dma source(%arg6 : memref<10240xf32, #tpu.memory_space<hbm>>) target(%dma_start3A_331 : memref<10240xf32, #tpu.memory_space<vmem>>) target_semaphore(%run_scoped3A : memref<!tpu.dma_semaphore, #tpu.memory_space<semaphore_mem>>)
      %dma_wait3A_332 = arith.constant 0 : i32
      %dma_wait3A_333 = tpu.memref_slice %arg16[%dma_wait3A_332] : memref<20480xf32, #tpu.memory_space<vmem>> -> memref<10240xf32, #tpu.memory_space<vmem>>
      %dma_wait3A_334 = arith.constant 0 : i32
      %dma_wait3A_335 = tpu.memref_slice %arg16[%dma_wait3A_334] : memref<20480xf32, #tpu.memory_space<vmem>> -> memref<10240xf32, #tpu.memory_space<vmem>>
      tpu.wait_dma2 semaphore(%run_scoped3A : memref<!tpu.dma_semaphore, #tpu.memory_space<semaphore_mem>>) src(%arg6 : memref<10240xf32, #tpu.memory_space<hbm>>) dst(%dma_wait3A_335 : memref<10240xf32, #tpu.memory_space<vmem>>)
      tpu.yield
    }) : () -> ()
    "tpu.region"() ({
      %run_scoped3A = tpu.sem_alloc : memref<!tpu.dma_semaphore, #tpu.memory_space<semaphore_mem>>
      %dma_start3A_328 = arith.constant 10240 : i32
      %dma_start3A_329 = tpu.memref_slice %arg16[%dma_start3A_328] : memref<20480xf32, #tpu.memory_space<vmem>> -> memref<10240xf32, #tpu.memory_space<vmem>>
      %dma_start3A_330 = arith.constant 10240 : i32
      %dma_start3A_331 = tpu.memref_slice %arg16[%dma_start3A_330] : memref<20480xf32, #tpu.memory_space<vmem>> -> memref<10240xf32, #tpu.memory_space<vmem>>
      tpu.enqueue_dma source(%arg6 : memref<10240xf32, #tpu.memory_space<hbm>>) target(%dma_start3A_331 : memref<10240xf32, #tpu.memory_space<vmem>>) target_semaphore(%run_scoped3A : memref<!tpu.dma_semaphore, #tpu.memory_space<semaphore_mem>>)
      %dma_wait3A_332 = arith.constant 10240 : i32
      %dma_wait3A_333 = tpu.memref_slice %arg16[%dma_wait3A_332] : memref<20480xf32, #tpu.memory_space<vmem>> -> memref<10240xf32, #tpu.memory_space<vmem>>
      %dma_wait3A_334 = arith.constant 10240 : i32
      %dma_wait3A_335 = tpu.memref_slice %arg16[%dma_wait3A_334] : memref<20480xf32, #tpu.memory_space<vmem>> -> memref<10240xf32, #tpu.memory_space<vmem>>
      tpu.wait_dma2 semaphore(%run_scoped3A : memref<!tpu.dma_semaphore, #tpu.memory_space<semaphore_mem>>) src(%arg6 : memref<10240xf32, #tpu.memory_space<hbm>>) dst(%dma_wait3A_335 : memref<10240xf32, #tpu.memory_space<vmem>>)
      tpu.yield
    }) : () -> ()
    %dma_wait3A = arith.constant 0 : i32
    %dma_wait3A_20 = arith.constant 0 : i32
    %dma_wait3A_21 = tpu.memref_slice %arg2[%arg1, %dma_wait3A, %dma_wait3A_20] : memref<16x158x128xi32, #tpu.memory_space<hbm>> -> memref<1x158x128xi32, #tpu.memory_space<hbm>>
    %dma_wait3A_22 = tpu.memref_squeeze %dma_wait3A_21 : memref<1x158x128xi32, #tpu.memory_space<hbm>> -> memref<158x128xi32, #tpu.memory_space<hbm>>
    %dma_wait3A_23 = arith.constant 0 : i32
    %dma_wait3A_24 = arith.constant 0 : i32
    %dma_wait3A_25 = tpu.memref_slice %arg2[%arg1, %dma_wait3A_23, %dma_wait3A_24] : memref<16x158x128xi32, #tpu.memory_space<hbm>> -> memref<1x158x128xi32, #tpu.memory_space<hbm>>
    %dma_wait3A_26 = tpu.memref_squeeze %dma_wait3A_25 : memref<1x158x128xi32, #tpu.memory_space<hbm>> -> memref<158x128xi32, #tpu.memory_space<hbm>>
    tpu.wait_dma2 semaphore(%arg29 : memref<!tpu.dma_semaphore, #tpu.memory_space<semaphore_mem>>) src(%dma_wait3A_26 : memref<158x128xi32, #tpu.memory_space<hbm>>) dst(%arg12 : memref<158x128xi32, #tpu.memory_space<vmem>>)
    %dma_wait3A_27 = arith.constant 0 : i32
    %dma_wait3A_28 = arith.constant 0 : i32
    %dma_wait3A_29 = tpu.memref_slice %arg3[%arg1, %dma_wait3A_27, %dma_wait3A_28] : memref<16x158x128xi32, #tpu.memory_space<hbm>> -> memref<1x158x128xi32, #tpu.memory_space<hbm>>
    %dma_wait3A_30 = tpu.memref_squeeze %dma_wait3A_29 : memref<1x158x128xi32, #tpu.memory_space<hbm>> -> memref<158x128xi32, #tpu.memory_space<hbm>>
    %dma_wait3A_31 = arith.constant 0 : i32
    %dma_wait3A_32 = arith.constant 0 : i32
    %dma_wait3A_33 = tpu.memref_slice %arg3[%arg1, %dma_wait3A_31, %dma_wait3A_32] : memref<16x158x128xi32, #tpu.memory_space<hbm>> -> memref<1x158x128xi32, #tpu.memory_space<hbm>>
    %dma_wait3A_34 = tpu.memref_squeeze %dma_wait3A_33 : memref<1x158x128xi32, #tpu.memory_space<hbm>> -> memref<158x128xi32, #tpu.memory_space<hbm>>
    tpu.wait_dma2 semaphore(%arg29 : memref<!tpu.dma_semaphore, #tpu.memory_space<semaphore_mem>>) src(%dma_wait3A_34 : memref<158x128xi32, #tpu.memory_space<hbm>>) dst(%arg13 : memref<158x128xi32, #tpu.memory_space<vmem>>)
    %dma_wait3A_35 = arith.constant 0 : i32
    %dma_wait3A_36 = tpu.memref_slice %arg14[%dma_wait3A_35] : memref<20480xf32, #tpu.memory_space<vmem>> -> memref<20000xf32, #tpu.memory_space<vmem>>
    %dma_wait3A_37 = arith.constant 0 : i32
    %dma_wait3A_38 = tpu.memref_slice %arg14[%dma_wait3A_37] : memref<20480xf32, #tpu.memory_space<vmem>> -> memref<20000xf32, #tpu.memory_space<vmem>>
    tpu.wait_dma2 semaphore(%arg29 : memref<!tpu.dma_semaphore, #tpu.memory_space<semaphore_mem>>) src(%arg4 : memref<20000xf32, #tpu.memory_space<hbm>>) dst(%dma_wait3A_38 : memref<20000xf32, #tpu.memory_space<vmem>>)
    tpu.wait_dma2 semaphore(%arg29 : memref<!tpu.dma_semaphore, #tpu.memory_space<semaphore_mem>>) src(%arg7 : memref<128xf32, #tpu.memory_space<hbm>>) dst(%arg22 : memref<128xf32, #tpu.memory_space<vmem>>)
    tpu.wait_dma2 semaphore(%arg29 : memref<!tpu.dma_semaphore, #tpu.memory_space<semaphore_mem>>) src(%arg8 : memref<128xf32, #tpu.memory_space<hbm>>) dst(%arg23 : memref<128xf32, #tpu.memory_space<vmem>>)
    tpu.wait_dma2 semaphore(%arg29 : memref<!tpu.dma_semaphore, #tpu.memory_space<semaphore_mem>>) src(%arg9 : memref<256xf32, #tpu.memory_space<hbm>>) dst(%arg24 : memref<256xf32, #tpu.memory_space<vmem>>)
    tpu.wait_dma2 semaphore(%arg29 : memref<!tpu.dma_semaphore, #tpu.memory_space<semaphore_mem>>) src(%arg10 : memref<8xf32, #tpu.memory_space<hbm>>) dst(%arg25 : memref<8xf32, #tpu.memory_space<vmem>>)
    %broadcast_in_dim3A = arith.constant 1.000000e+00 : f32
    %broadcast_in_dim3A_39 = vector.broadcast %broadcast_in_dim3A : f32 to vector<16xf32>
    %scan3A = arith.constant 0 : i32
    %scan3A_40 = arith.constant 0 : i32
    %scan3A_41 = arith.constant 158 : i32
    %scan3A_42 = arith.addi %scan3A_40, %scan3A_41 : i32
    %scan3A_43 = arith.constant 1 : i32
    scf.for %scan3A_328 = %scan3A_40 to %scan3A_42 step %scan3A_43  : i32 {
      %get3A_329 = arith.index_cast %scan3A_328 : i32 to index
      %get3A_330 = arith.constant 0 : index
      %get3A_331 = tpu.vector_load %arg13[%get3A_329, %get3A_330] {strides = array<i32>} : memref<158x128xi32, #tpu.memory_space<vmem>>, vector<16xi32>,
      tpu.vector_store_idx %arg16[%get3A_331], %broadcast_in_dim3A_39 {add = true} : memref<20480xf32, #tpu.memory_space<vmem>>[vector<16xi32>], vector<16xf32>,
      %get3A_332 = arith.index_cast %scan3A_328 : i32 to index
      %get3A_333 = arith.constant 16 : index
      %get3A_334 = tpu.vector_load %arg13[%get3A_332, %get3A_333] {strides = array<i32>} : memref<158x128xi32, #tpu.memory_space<vmem>>, vector<16xi32>,
      tpu.vector_store_idx %arg16[%get3A_334], %broadcast_in_dim3A_39 {add = true} : memref<20480xf32, #tpu.memory_space<vmem>>[vector<16xi32>], vector<16xf32>,
      %get3A_335 = arith.index_cast %scan3A_328 : i32 to index
      %get3A_336 = arith.constant 32 : index
      %get3A_337 = tpu.vector_load %arg13[%get3A_335, %get3A_336] {strides = array<i32>} : memref<158x128xi32, #tpu.memory_space<vmem>>, vector<16xi32>,
      tpu.vector_store_idx %arg16[%get3A_337], %broadcast_in_dim3A_39 {add = true} : memref<20480xf32, #tpu.memory_space<vmem>>[vector<16xi32>], vector<16xf32>,
      %get3A_338 = arith.index_cast %scan3A_328 : i32 to index
      %get3A_339 = arith.constant 48 : index
      %get3A_340 = tpu.vector_load %arg13[%get3A_338, %get3A_339] {strides = array<i32>} : memref<158x128xi32, #tpu.memory_space<vmem>>, vector<16xi32>,
      tpu.vector_store_idx %arg16[%get3A_340], %broadcast_in_dim3A_39 {add = true} : memref<20480xf32, #tpu.memory_space<vmem>>[vector<16xi32>], vector<16xf32>,
      %get3A_341 = arith.index_cast %scan3A_328 : i32 to index
      %get3A_342 = arith.constant 64 : index
      %get3A_343 = tpu.vector_load %arg13[%get3A_341, %get3A_342] {strides = array<i32>} : memref<158x128xi32, #tpu.memory_space<vmem>>, vector<16xi32>,
      tpu.vector_store_idx %arg16[%get3A_343], %broadcast_in_dim3A_39 {add = true} : memref<20480xf32, #tpu.memory_space<vmem>>[vector<16xi32>], vector<16xf32>,
      %get3A_344 = arith.index_cast %scan3A_328 : i32 to index
      %get3A_345 = arith.constant 80 : index
      %get3A_346 = tpu.vector_load %arg13[%get3A_344, %get3A_345] {strides = array<i32>} : memref<158x128xi32, #tpu.memory_space<vmem>>, vector<16xi32>,
      tpu.vector_store_idx %arg16[%get3A_346], %broadcast_in_dim3A_39 {add = true} : memref<20480xf32, #tpu.memory_space<vmem>>[vector<16xi32>], vector<16xf32>,
      %get3A_347 = arith.index_cast %scan3A_328 : i32 to index
      %get3A_348 = arith.constant 96 : index
      %get3A_349 = tpu.vector_load %arg13[%get3A_347, %get3A_348] {strides = array<i32>} : memref<158x128xi32, #tpu.memory_space<vmem>>, vector<16xi32>,
      tpu.vector_store_idx %arg16[%get3A_349], %broadcast_in_dim3A_39 {add = true} : memref<20480xf32, #tpu.memory_space<vmem>>[vector<16xi32>], vector<16xf32>,
      %get3A_350 = arith.index_cast %scan3A_328 : i32 to index
      %get3A_351 = arith.constant 112 : index
      %get3A_352 = tpu.vector_load %arg13[%get3A_350, %get3A_351] {strides = array<i32>} : memref<158x128xi32, #tpu.memory_space<vmem>>, vector<16xi32>,
      tpu.vector_store_idx %arg16[%get3A_352], %broadcast_in_dim3A_39 {add = true} : memref<20480xf32, #tpu.memory_space<vmem>>[vector<16xi32>], vector<16xf32>,
    }
    %scan3A_44 = arith.constant 158 : i32
    "tpu.region"() ({
      %run_scoped3A = tpu.sem_alloc : memref<!tpu.dma_semaphore, #tpu.memory_space<semaphore_mem>>
      %dma_start3A_328 = arith.constant 0 : i32
      %dma_start3A_329 = tpu.memref_slice %arg16[%dma_start3A_328] : memref<20480xf32, #tpu.memory_space<vmem>> -> memref<10240xf32, #tpu.memory_space<vmem>>
      %dma_start3A_330 = arith.constant 0 : i32
      %dma_start3A_331 = tpu.memref_slice %arg28[%arg1, %dma_start3A_330] : memref<16x20480xf32, #tpu.memory_space<vmem_shared>> -> memref<1x10240xf32, #tpu.memory_space<vmem_shared>>
      %dma_start3A_332 = tpu.memref_squeeze %dma_start3A_331 : memref<1x10240xf32, #tpu.memory_space<vmem_shared>> -> memref<10240xf32, #tpu.memory_space<vmem_shared>>
      %dma_start3A_333 = arith.constant 0 : i32
      %dma_start3A_334 = tpu.memref_slice %arg28[%arg1, %dma_start3A_333] : memref<16x20480xf32, #tpu.memory_space<vmem_shared>> -> memref<1x10240xf32, #tpu.memory_space<vmem_shared>>
      %dma_start3A_335 = tpu.memref_squeeze %dma_start3A_334 : memref<1x10240xf32, #tpu.memory_space<vmem_shared>> -> memref<10240xf32, #tpu.memory_space<vmem_shared>>
      %dma_start3A_336 = arith.constant 0 : i32
      %dma_start3A_337 = tpu.memref_slice %arg16[%dma_start3A_336] : memref<20480xf32, #tpu.memory_space<vmem>> -> memref<10240xf32, #tpu.memory_space<vmem>>
      tpu.enqueue_dma source(%dma_start3A_337 : memref<10240xf32, #tpu.memory_space<vmem>>) target(%dma_start3A_335 : memref<10240xf32, #tpu.memory_space<vmem_shared>>) target_semaphore(%run_scoped3A : memref<!tpu.dma_semaphore, #tpu.memory_space<semaphore_mem>>)
      %dma_wait3A_338 = arith.constant 0 : i32
      %dma_wait3A_339 = tpu.memref_slice %arg16[%dma_wait3A_338] : memref<20480xf32, #tpu.memory_space<vmem>> -> memref<10240xf32, #tpu.memory_space<vmem>>
      %dma_wait3A_340 = arith.constant 0 : i32
      %dma_wait3A_341 = tpu.memref_slice %arg28[%arg1, %dma_wait3A_340] : memref<16x20480xf32, #tpu.memory_space<vmem_shared>> -> memref<1x10240xf32, #tpu.memory_space<vmem_shared>>
      %dma_wait3A_342 = tpu.memref_squeeze %dma_wait3A_341 : memref<1x10240xf32, #tpu.memory_space<vmem_shared>> -> memref<10240xf32, #tpu.memory_space<vmem_shared>>
      %dma_wait3A_343 = arith.constant 0 : i32
      %dma_wait3A_344 = tpu.memref_slice %arg28[%arg1, %dma_wait3A_343] : memref<16x20480xf32, #tpu.memory_space<vmem_shared>> -> memref<1x10240xf32, #tpu.memory_space<vmem_shared>>
      %dma_wait3A_345 = tpu.memref_squeeze %dma_wait3A_344 : memref<1x10240xf32, #tpu.memory_space<vmem_shared>> -> memref<10240xf32, #tpu.memory_space<vmem_shared>>
      %dma_wait3A_346 = arith.constant 0 : i32
      %dma_wait3A_347 = tpu.memref_slice %arg16[%dma_wait3A_346] : memref<20480xf32, #tpu.memory_space<vmem>> -> memref<10240xf32, #tpu.memory_space<vmem>>
      tpu.wait_dma2 semaphore(%run_scoped3A : memref<!tpu.dma_semaphore, #tpu.memory_space<semaphore_mem>>) src(%dma_wait3A_347 : memref<10240xf32, #tpu.memory_space<vmem>>) dst(%dma_wait3A_345 : memref<10240xf32, #tpu.memory_space<vmem_shared>>)
      tpu.yield
    }) : () -> ()
    %barrier3A = arith.constant 0 : index
    tpu.barrier barrier_id(%barrier3A)
    %mul3A_45 = arith.constant 640 : i32
    %mul3A_46 = arith.muli %mul3A_45, %arg1 : i32
    "tpu.region"() ({
      %run_scoped3A = tpu.sem_alloc : memref<!tpu.dma_semaphore, #tpu.memory_space<semaphore_mem>>
      %dma_start3A_328 = arith.constant 0 : i32
      %dma_start3A_329 = arith.constant 0 : i32
      %dma_start3A_330 = tpu.memref_slice %arg17[%dma_start3A_328, %dma_start3A_329] : memref<16x640xf32, #tpu.memory_space<vmem>> -> memref<16x640xf32, #tpu.memory_space<vmem>>
      %dma_start3A_331 = arith.constant 0 : i32
      %dma_start3A_332 = tpu.memref_slice %arg28[%dma_start3A_331, %mul3A_46] : memref<16x20480xf32, #tpu.memory_space<vmem_shared>> -> memref<16x640xf32, #tpu.memory_space<vmem_shared>>
      %dma_start3A_333 = arith.constant 0 : i32
      %dma_start3A_334 = arith.constant 0 : i32
      %dma_start3A_335 = tpu.memref_slice %arg17[%dma_start3A_333, %dma_start3A_334] : memref<16x640xf32, #tpu.memory_space<vmem>> -> memref<16x640xf32, #tpu.memory_space<vmem>>
      %dma_start3A_336 = arith.constant 0 : i32
      %dma_start3A_337 = tpu.memref_slice %arg28[%dma_start3A_336, %mul3A_46] : memref<16x20480xf32, #tpu.memory_space<vmem_shared>> -> memref<16x640xf32, #tpu.memory_space<vmem_shared>>
      tpu.enqueue_dma source(%dma_start3A_337 : memref<16x640xf32, #tpu.memory_space<vmem_shared>>) target(%dma_start3A_335 : memref<16x640xf32, #tpu.memory_space<vmem>>) target_semaphore(%run_scoped3A : memref<!tpu.dma_semaphore, #tpu.memory_space<semaphore_mem>>)
      %dma_wait3A_338 = arith.constant 0 : i32
      %dma_wait3A_339 = arith.constant 0 : i32
      %dma_wait3A_340 = tpu.memref_slice %arg17[%dma_wait3A_338, %dma_wait3A_339] : memref<16x640xf32, #tpu.memory_space<vmem>> -> memref<16x640xf32, #tpu.memory_space<vmem>>
      %dma_wait3A_341 = arith.constant 0 : i32
      %dma_wait3A_342 = tpu.memref_slice %arg28[%dma_wait3A_341, %mul3A_46] : memref<16x20480xf32, #tpu.memory_space<vmem_shared>> -> memref<16x640xf32, #tpu.memory_space<vmem_shared>>
      %dma_wait3A_343 = arith.constant 0 : i32
      %dma_wait3A_344 = arith.constant 0 : i32
      %dma_wait3A_345 = tpu.memref_slice %arg17[%dma_wait3A_343, %dma_wait3A_344] : memref<16x640xf32, #tpu.memory_space<vmem>> -> memref<16x640xf32, #tpu.memory_space<vmem>>
      %dma_wait3A_346 = arith.constant 0 : i32
      %dma_wait3A_347 = tpu.memref_slice %arg28[%dma_wait3A_346, %mul3A_46] : memref<16x20480xf32, #tpu.memory_space<vmem_shared>> -> memref<16x640xf32, #tpu.memory_space<vmem_shared>>
      tpu.wait_dma2 semaphore(%run_scoped3A : memref<!tpu.dma_semaphore, #tpu.memory_space<semaphore_mem>>) src(%dma_wait3A_347 : memref<16x640xf32, #tpu.memory_space<vmem_shared>>) dst(%dma_wait3A_345 : memref<16x640xf32, #tpu.memory_space<vmem>>)
      tpu.yield
    }) : () -> ()
    %scan3A_47 = arith.constant 0 : i32
    %scan3A_48 = arith.constant 0 : i32
    %scan3A_49 = arith.constant 40 : i32
    %scan3A_50 = arith.addi %scan3A_48, %scan3A_49 : i32
    %scan3A_51 = arith.constant 1 : i32
    scf.for %scan3A_328 = %scan3A_48 to %scan3A_50 step %scan3A_51  : i32 {
      %mul3A_329 = arith.constant 16 : i32
      %mul3A_330 = arith.muli %scan3A_328, %mul3A_329 : i32
      %get3A_331 = arith.constant 0 : i32
      %get3A_332 = arith.index_cast %get3A_331 : i32 to index
      %get3A_333 = arith.index_cast %mul3A_330 : i32 to index
      %get3A_334 = tpu.vector_load %arg17[%get3A_332, %get3A_333] {strides = array<i32>} : memref<16x640xf32, #tpu.memory_space<vmem>>, vector<16xf32>,
      %get3A_335 = arith.constant 1 : i32
      %get3A_336 = arith.index_cast %get3A_335 : i32 to index
      %get3A_337 = arith.index_cast %mul3A_330 : i32 to index
      %get3A_338 = tpu.vector_load %arg17[%get3A_336, %get3A_337] {strides = array<i32>} : memref<16x640xf32, #tpu.memory_space<vmem>>, vector<16xf32>,
      %add3A_339 = arith.addf %get3A_334, %get3A_338 : vector<16xf32>
      %get3A_340 = arith.constant 2 : i32
      %get3A_341 = arith.index_cast %get3A_340 : i32 to index
      %get3A_342 = arith.index_cast %mul3A_330 : i32 to index
      %get3A_343 = tpu.vector_load %arg17[%get3A_341, %get3A_342] {strides = array<i32>} : memref<16x640xf32, #tpu.memory_space<vmem>>, vector<16xf32>,
      %add3A_344 = arith.addf %add3A_339, %get3A_343 : vector<16xf32>
      %get3A_345 = arith.constant 3 : i32
      %get3A_346 = arith.index_cast %get3A_345 : i32 to index
      %get3A_347 = arith.index_cast %mul3A_330 : i32 to index
      %get3A_348 = tpu.vector_load %arg17[%get3A_346, %get3A_347] {strides = array<i32>} : memref<16x640xf32, #tpu.memory_space<vmem>>, vector<16xf32>,
      %add3A_349 = arith.addf %add3A_344, %get3A_348 : vector<16xf32>
      %get3A_350 = arith.constant 4 : i32
      %get3A_351 = arith.index_cast %get3A_350 : i32 to index
      %get3A_352 = arith.index_cast %mul3A_330 : i32 to index
      %get3A_353 = tpu.vector_load %arg17[%get3A_351, %get3A_352] {strides = array<i32>} : memref<16x640xf32, #tpu.memory_space<vmem>>, vector<16xf32>,
      %add3A_354 = arith.addf %add3A_349, %get3A_353 : vector<16xf32>
      %get3A_355 = arith.constant 5 : i32
      %get3A_356 = arith.index_cast %get3A_355 : i32 to index
      %get3A_357 = arith.index_cast %mul3A_330 : i32 to index
      %get3A_358 = tpu.vector_load %arg17[%get3A_356, %get3A_357] {strides = array<i32>} : memref<16x640xf32, #tpu.memory_space<vmem>>, vector<16xf32>,
      %add3A_359 = arith.addf %add3A_354, %get3A_358 : vector<16xf32>
      %get3A_360 = arith.constant 6 : i32
      %get3A_361 = arith.index_cast %get3A_360 : i32 to index
      %get3A_362 = arith.index_cast %mul3A_330 : i32 to index
      %get3A_363 = tpu.vector_load %arg17[%get3A_361, %get3A_362] {strides = array<i32>} : memref<16x640xf32, #tpu.memory_space<vmem>>, vector<16xf32>,
      %add3A_364 = arith.addf %add3A_359, %get3A_363 : vector<16xf32>
      %get3A_365 = arith.constant 7 : i32
      %get3A_366 = arith.index_cast %get3A_365 : i32 to index
      %get3A_367 = arith.index_cast %mul3A_330 : i32 to index
      %get3A_368 = tpu.vector_load %arg17[%get3A_366, %get3A_367] {strides = array<i32>} : memref<16x640xf32, #tpu.memory_space<vmem>>, vector<16xf32>,
      %add3A_369 = arith.addf %add3A_364, %get3A_368 : vector<16xf32>
      %get3A_370 = arith.constant 8 : i32
      %get3A_371 = arith.index_cast %get3A_370 : i32 to index
      %get3A_372 = arith.index_cast %mul3A_330 : i32 to index
      %get3A_373 = tpu.vector_load %arg17[%get3A_371, %get3A_372] {strides = array<i32>} : memref<16x640xf32, #tpu.memory_space<vmem>>, vector<16xf32>,
      %add3A_374 = arith.addf %add3A_369, %get3A_373 : vector<16xf32>
      %get3A_375 = arith.constant 9 : i32
      %get3A_376 = arith.index_cast %get3A_375 : i32 to index
      %get3A_377 = arith.index_cast %mul3A_330 : i32 to index
      %get3A_378 = tpu.vector_load %arg17[%get3A_376, %get3A_377] {strides = array<i32>} : memref<16x640xf32, #tpu.memory_space<vmem>>, vector<16xf32>,
      %add3A_379 = arith.addf %add3A_374, %get3A_378 : vector<16xf32>
      %get3A_380 = arith.constant 10 : i32
      %get3A_381 = arith.index_cast %get3A_380 : i32 to index
      %get3A_382 = arith.index_cast %mul3A_330 : i32 to index
      %get3A_383 = tpu.vector_load %arg17[%get3A_381, %get3A_382] {strides = array<i32>} : memref<16x640xf32, #tpu.memory_space<vmem>>, vector<16xf32>,
      %add3A_384 = arith.addf %add3A_379, %get3A_383 : vector<16xf32>
      %get3A_385 = arith.constant 11 : i32
      %get3A_386 = arith.index_cast %get3A_385 : i32 to index
      %get3A_387 = arith.index_cast %mul3A_330 : i32 to index
      %get3A_388 = tpu.vector_load %arg17[%get3A_386, %get3A_387] {strides = array<i32>} : memref<16x640xf32, #tpu.memory_space<vmem>>, vector<16xf32>,
      %add3A_389 = arith.addf %add3A_384, %get3A_388 : vector<16xf32>
      %get3A_390 = arith.constant 12 : i32
      %get3A_391 = arith.index_cast %get3A_390 : i32 to index
      %get3A_392 = arith.index_cast %mul3A_330 : i32 to index
      %get3A_393 = tpu.vector_load %arg17[%get3A_391, %get3A_392] {strides = array<i32>} : memref<16x640xf32, #tpu.memory_space<vmem>>, vector<16xf32>,
      %add3A_394 = arith.addf %add3A_389, %get3A_393 : vector<16xf32>
      %get3A_395 = arith.constant 13 : i32
      %get3A_396 = arith.index_cast %get3A_395 : i32 to index
      %get3A_397 = arith.index_cast %mul3A_330 : i32 to index
      %get3A_398 = tpu.vector_load %arg17[%get3A_396, %get3A_397] {strides = array<i32>} : memref<16x640xf32, #tpu.memory_space<vmem>>, vector<16xf32>,
      %add3A_399 = arith.addf %add3A_394, %get3A_398 : vector<16xf32>
      %get3A_400 = arith.constant 14 : i32
      %get3A_401 = arith.index_cast %get3A_400 : i32 to index
      %get3A_402 = arith.index_cast %mul3A_330 : i32 to index
      %get3A_403 = tpu.vector_load %arg17[%get3A_401, %get3A_402] {strides = array<i32>} : memref<16x640xf32, #tpu.memory_space<vmem>>, vector<16xf32>,
      %add3A_404 = arith.addf %add3A_399, %get3A_403 : vector<16xf32>
      %get3A_405 = arith.constant 15 : i32
      %get3A_406 = arith.index_cast %get3A_405 : i32 to index
      %get3A_407 = arith.index_cast %mul3A_330 : i32 to index
      %get3A_408 = tpu.vector_load %arg17[%get3A_406, %get3A_407] {strides = array<i32>} : memref<16x640xf32, #tpu.memory_space<vmem>>, vector<16xf32>,
      %add3A_409 = arith.addf %add3A_404, %get3A_408 : vector<16xf32>
      %add3A_410 = arith.constant 1.000000e+00 : f32
      %add3A_411 = vector.broadcast %add3A_410 : f32 to vector<16xf32>
      %add3A_412 = arith.addf %add3A_409, %add3A_411 : vector<16xf32>
      %bitcast3A = vector.bitcast %add3A_412 : vector<16xf32> to vector<16xi32>
      %shift_right_logical3A = arith.constant 1 : i32
      %shift_right_logical3A_413 = vector.broadcast %shift_right_logical3A : i32 to vector<16xi32>
      %shift_right_logical3A_414 = arith.shrui %bitcast3A, %shift_right_logical3A_413 : vector<16xi32>
      %sub3A = arith.constant 1597463007 : i32
      %sub3A_415 = vector.broadcast %sub3A : i32 to vector<16xi32>
      %sub3A_416 = arith.subi %sub3A_415, %shift_right_logical3A_414 : vector<16xi32>
      %bitcast3A_417 = vector.bitcast %sub3A_416 : vector<16xi32> to vector<16xf32>
      %mul3A_418 = arith.constant 5.000000e-01 : f32
      %mul3A_419 = vector.broadcast %mul3A_418 : f32 to vector<16xf32>
      %mul3A_420 = arith.mulf %mul3A_419, %add3A_412 : vector<16xf32>
      %mul3A_421 = arith.mulf %mul3A_420, %bitcast3A_417 : vector<16xf32>
      %mul3A_422 = arith.mulf %mul3A_421, %bitcast3A_417 : vector<16xf32>
      %sub3A_423 = arith.constant 1.500000e+00 : f32
      %sub3A_424 = vector.broadcast %sub3A_423 : f32 to vector<16xf32>
      %sub3A_425 = arith.subf %sub3A_424, %mul3A_422 : vector<16xf32>
      %mul3A_426 = arith.mulf %bitcast3A_417, %sub3A_425 : vector<16xf32>
      %mul3A_427 = arith.constant 5.000000e-01 : f32
      %mul3A_428 = vector.broadcast %mul3A_427 : f32 to vector<16xf32>
      %mul3A_429 = arith.mulf %mul3A_428, %add3A_412 : vector<16xf32>
      %mul3A_430 = arith.mulf %mul3A_429, %mul3A_426 : vector<16xf32>
      %mul3A_431 = arith.mulf %mul3A_430, %mul3A_426 : vector<16xf32>
      %sub3A_432 = arith.constant 1.500000e+00 : f32
      %sub3A_433 = vector.broadcast %sub3A_432 : f32 to vector<16xf32>
      %sub3A_434 = arith.subf %sub3A_433, %mul3A_431 : vector<16xf32>
      %mul3A_435 = arith.mulf %mul3A_426, %sub3A_434 : vector<16xf32>
      %mul3A_436 = arith.constant 5.000000e-01 : f32
      %mul3A_437 = vector.broadcast %mul3A_436 : f32 to vector<16xf32>
      %mul3A_438 = arith.mulf %mul3A_437, %add3A_412 : vector<16xf32>
      %mul3A_439 = arith.mulf %mul3A_438, %mul3A_435 : vector<16xf32>
      %mul3A_440 = arith.mulf %mul3A_439, %mul3A_435 : vector<16xf32>
      %sub3A_441 = arith.constant 1.500000e+00 : f32
      %sub3A_442 = vector.broadcast %sub3A_441 : f32 to vector<16xf32>
      %sub3A_443 = arith.subf %sub3A_442, %mul3A_440 : vector<16xf32>
      %mul3A_444 = arith.mulf %mul3A_435, %sub3A_443 : vector<16xf32>
      %swap3A = arith.index_cast %mul3A_330 : i32 to index
      %swap3A_445 = tpu.vector_load %arg20[%swap3A] {strides = array<i32>} : memref<640xf32, #tpu.memory_space<vmem>>, vector<16xf32>,
      tpu.vector_store %arg20[%swap3A], %mul3A_444 {strides = array<i32>} : memref<640xf32, #tpu.memory_space<vmem>>, vector<16xf32>,
    }
    %scan3A_52 = arith.constant 40 : i32
    %mul3A_53 = arith.constant 640 : i32
    %mul3A_54 = arith.muli %mul3A_53, %arg1 : i32
    "tpu.region"() ({
      %run_scoped3A = tpu.sem_alloc : memref<!tpu.dma_semaphore, #tpu.memory_space<semaphore_mem>>
      %dma_start3A_328 = tpu.memref_slice %arg27[%mul3A_54] : memref<10240xf32, #tpu.memory_space<vmem_shared>> -> memref<640xf32, #tpu.memory_space<vmem_shared>>
      %dma_start3A_329 = tpu.memref_slice %arg27[%mul3A_54] : memref<10240xf32, #tpu.memory_space<vmem_shared>> -> memref<640xf32, #tpu.memory_space<vmem_shared>>
      tpu.enqueue_dma source(%arg20 : memref<640xf32, #tpu.memory_space<vmem>>) target(%dma_start3A_329 : memref<640xf32, #tpu.memory_space<vmem_shared>>) target_semaphore(%run_scoped3A : memref<!tpu.dma_semaphore, #tpu.memory_space<semaphore_mem>>)
      %dma_wait3A_330 = tpu.memref_slice %arg27[%mul3A_54] : memref<10240xf32, #tpu.memory_space<vmem_shared>> -> memref<640xf32, #tpu.memory_space<vmem_shared>>
      %dma_wait3A_331 = tpu.memref_slice %arg27[%mul3A_54] : memref<10240xf32, #tpu.memory_space<vmem_shared>> -> memref<640xf32, #tpu.memory_space<vmem_shared>>
      tpu.wait_dma2 semaphore(%run_scoped3A : memref<!tpu.dma_semaphore, #tpu.memory_space<semaphore_mem>>) src(%arg20 : memref<640xf32, #tpu.memory_space<vmem>>) dst(%dma_wait3A_331 : memref<640xf32, #tpu.memory_space<vmem_shared>>)
      tpu.yield
    }) : () -> ()
    "tpu.region"() ({
      %run_scoped3A = tpu.sem_alloc : memref<!tpu.dma_semaphore, #tpu.memory_space<semaphore_mem>>
      %dma_start3A_328 = arith.constant 0 : i32
      %dma_start3A_329 = tpu.memref_slice %arg16[%dma_start3A_328] : memref<20480xf32, #tpu.memory_space<vmem>> -> memref<10240xf32, #tpu.memory_space<vmem>>
      %dma_start3A_330 = arith.constant 0 : i32
      %dma_start3A_331 = tpu.memref_slice %arg16[%dma_start3A_330] : memref<20480xf32, #tpu.memory_space<vmem>> -> memref<10240xf32, #tpu.memory_space<vmem>>
      tpu.enqueue_dma source(%arg6 : memref<10240xf32, #tpu.memory_space<hbm>>) target(%dma_start3A_331 : memref<10240xf32, #tpu.memory_space<vmem>>) target_semaphore(%run_scoped3A : memref<!tpu.dma_semaphore, #tpu.memory_space<semaphore_mem>>)
      %dma_wait3A_332 = arith.constant 0 : i32
      %dma_wait3A_333 = tpu.memref_slice %arg16[%dma_wait3A_332] : memref<20480xf32, #tpu.memory_space<vmem>> -> memref<10240xf32, #tpu.memory_space<vmem>>
      %dma_wait3A_334 = arith.constant 0 : i32
      %dma_wait3A_335 = tpu.memref_slice %arg16[%dma_wait3A_334] : memref<20480xf32, #tpu.memory_space<vmem>> -> memref<10240xf32, #tpu.memory_space<vmem>>
      tpu.wait_dma2 semaphore(%run_scoped3A : memref<!tpu.dma_semaphore, #tpu.memory_space<semaphore_mem>>) src(%arg6 : memref<10240xf32, #tpu.memory_space<hbm>>) dst(%dma_wait3A_335 : memref<10240xf32, #tpu.memory_space<vmem>>)
      tpu.yield
    }) : () -> ()
    %barrier3A_55 = arith.constant 0 : index
    tpu.barrier barrier_id(%barrier3A_55)
    "tpu.region"() ({
      %run_scoped3A = tpu.sem_alloc : memref<!tpu.dma_semaphore, #tpu.memory_space<semaphore_mem>>
      tpu.enqueue_dma source(%arg27 : memref<10240xf32, #tpu.memory_space<vmem_shared>>) target(%arg15 : memref<10240xf32, #tpu.memory_space<vmem>>) target_semaphore(%run_scoped3A : memref<!tpu.dma_semaphore, #tpu.memory_space<semaphore_mem>>)
      tpu.wait_dma2 semaphore(%run_scoped3A : memref<!tpu.dma_semaphore, #tpu.memory_space<semaphore_mem>>) src(%arg27 : memref<10240xf32, #tpu.memory_space<vmem_shared>>) dst(%arg15 : memref<10240xf32, #tpu.memory_space<vmem>>)
      tpu.yield
    }) : () -> ()
    %scan3A_56 = arith.constant 0 : i32
    %scan3A_57 = arith.constant 0 : i32
    %scan3A_58 = arith.constant 158 : i32
    %scan3A_59 = arith.addi %scan3A_57, %scan3A_58 : i32
    %scan3A_60 = arith.constant 1 : i32
    scf.for %scan3A_328 = %scan3A_57 to %scan3A_59 step %scan3A_60  : i32 {
      %get3A_329 = arith.index_cast %scan3A_328 : i32 to index
      %get3A_330 = arith.constant 0 : index
      %get3A_331 = tpu.vector_load %arg12[%get3A_329, %get3A_330] {strides = array<i32>} : memref<158x128xi32, #tpu.memory_space<vmem>>, vector<16xi32>,
      %get3A_332 = arith.index_cast %scan3A_328 : i32 to index
      %get3A_333 = arith.constant 0 : index
      %get3A_334 = tpu.vector_load %arg13[%get3A_332, %get3A_333] {strides = array<i32>} : memref<158x128xi32, #tpu.memory_space<vmem>>, vector<16xi32>,
      %mul3A_335 = arith.constant 2 : i32
      %mul3A_336 = vector.broadcast %mul3A_335 : i32 to vector<16xi32>
      %mul3A_337 = arith.muli %get3A_331, %mul3A_336 : vector<16xi32>
      %mul3A_338 = arith.constant 2 : i32
      %mul3A_339 = vector.broadcast %mul3A_338 : i32 to vector<16xi32>
      %mul3A_340 = arith.muli %get3A_334, %mul3A_339 : vector<16xi32>
      %gather3A_341 = tpu.vector_load_idx %arg14[%mul3A_337] : memref<20480xf32, #tpu.memory_space<vmem>>[vector<16xi32>], vector<16xf32>,
      %add3A_342 = arith.constant 1 : i32
      %add3A_343 = vector.broadcast %add3A_342 : i32 to vector<16xi32>
      %add3A_344 = arith.addi %mul3A_337, %add3A_343 : vector<16xi32>
      %gather3A_345 = tpu.vector_load_idx %arg14[%add3A_344] : memref<20480xf32, #tpu.memory_space<vmem>>[vector<16xi32>], vector<16xf32>,
      %gather3A_346 = tpu.vector_load_idx %arg15[%get3A_331] : memref<10240xf32, #tpu.memory_space<vmem>>[vector<16xi32>], vector<16xf32>,
      %mul3A_347 = arith.mulf %gather3A_341, %gather3A_346 : vector<16xf32>
      tpu.vector_store_idx %arg16[%mul3A_340], %mul3A_347 {add = true} : memref<20480xf32, #tpu.memory_space<vmem>>[vector<16xi32>], vector<16xf32>,
      %add3A_348 = arith.constant 1 : i32
      %add3A_349 = vector.broadcast %add3A_348 : i32 to vector<16xi32>
      %add3A_350 = arith.addi %mul3A_340, %add3A_349 : vector<16xi32>
      %mul3A_351 = arith.mulf %gather3A_345, %gather3A_346 : vector<16xf32>
      tpu.vector_store_idx %arg16[%add3A_350], %mul3A_351 {add = true} : memref<20480xf32, #tpu.memory_space<vmem>>[vector<16xi32>], vector<16xf32>,
      %get3A_352 = arith.index_cast %scan3A_328 : i32 to index
      %get3A_353 = arith.constant 16 : index
      %get3A_354 = tpu.vector_load %arg12[%get3A_352, %get3A_353] {strides = array<i32>} : memref<158x128xi32, #tpu.memory_space<vmem>>, vector<16xi32>,
      %get3A_355 = arith.index_cast %scan3A_328 : i32 to index
      %get3A_356 = arith.constant 16 : index
      %get3A_357 = tpu.vector_load %arg13[%get3A_355, %get3A_356] {strides = array<i32>} : memref<158x128xi32, #tpu.memory_space<vmem>>, vector<16xi32>,
      %mul3A_358 = arith.constant 2 : i32
      %mul3A_359 = vector.broadcast %mul3A_358 : i32 to vector<16xi32>
      %mul3A_360 = arith.muli %get3A_354, %mul3A_359 : vector<16xi32>
      %mul3A_361 = arith.constant 2 : i32
      %mul3A_362 = vector.broadcast %mul3A_361 : i32 to vector<16xi32>
      %mul3A_363 = arith.muli %get3A_357, %mul3A_362 : vector<16xi32>
      %gather3A_364 = tpu.vector_load_idx %arg14[%mul3A_360] : memref<20480xf32, #tpu.memory_space<vmem>>[vector<16xi32>], vector<16xf32>,
      %add3A_365 = arith.constant 1 : i32
      %add3A_366 = vector.broadcast %add3A_365 : i32 to vector<16xi32>
      %add3A_367 = arith.addi %mul3A_360, %add3A_366 : vector<16xi32>
      %gather3A_368 = tpu.vector_load_idx %arg14[%add3A_367] : memref<20480xf32, #tpu.memory_space<vmem>>[vector<16xi32>], vector<16xf32>,
      %gather3A_369 = tpu.vector_load_idx %arg15[%get3A_354] : memref<10240xf32, #tpu.memory_space<vmem>>[vector<16xi32>], vector<16xf32>,
      %mul3A_370 = arith.mulf %gather3A_364, %gather3A_369 : vector<16xf32>
      tpu.vector_store_idx %arg16[%mul3A_363], %mul3A_370 {add = true} : memref<20480xf32, #tpu.memory_space<vmem>>[vector<16xi32>], vector<16xf32>,
      %add3A_371 = arith.constant 1 : i32
      %add3A_372 = vector.broadcast %add3A_371 : i32 to vector<16xi32>
      %add3A_373 = arith.addi %mul3A_363, %add3A_372 : vector<16xi32>
      %mul3A_374 = arith.mulf %gather3A_368, %gather3A_369 : vector<16xf32>
      tpu.vector_store_idx %arg16[%add3A_373], %mul3A_374 {add = true} : memref<20480xf32, #tpu.memory_space<vmem>>[vector<16xi32>], vector<16xf32>,
      %get3A_375 = arith.index_cast %scan3A_328 : i32 to index
      %get3A_376 = arith.constant 32 : index
      %get3A_377 = tpu.vector_load %arg12[%get3A_375, %get3A_376] {strides = array<i32>} : memref<158x128xi32, #tpu.memory_space<vmem>>, vector<16xi32>,
      %get3A_378 = arith.index_cast %scan3A_328 : i32 to index
      %get3A_379 = arith.constant 32 : index
      %get3A_380 = tpu.vector_load %arg13[%get3A_378, %get3A_379] {strides = array<i32>} : memref<158x128xi32, #tpu.memory_space<vmem>>, vector<16xi32>,
      %mul3A_381 = arith.constant 2 : i32
      %mul3A_382 = vector.broadcast %mul3A_381 : i32 to vector<16xi32>
      %mul3A_383 = arith.muli %get3A_377, %mul3A_382 : vector<16xi32>
      %mul3A_384 = arith.constant 2 : i32
      %mul3A_385 = vector.broadcast %mul3A_384 : i32 to vector<16xi32>
      %mul3A_386 = arith.muli %get3A_380, %mul3A_385 : vector<16xi32>
      %gather3A_387 = tpu.vector_load_idx %arg14[%mul3A_383] : memref<20480xf32, #tpu.memory_space<vmem>>[vector<16xi32>], vector<16xf32>,
      %add3A_388 = arith.constant 1 : i32
      %add3A_389 = vector.broadcast %add3A_388 : i32 to vector<16xi32>
      %add3A_390 = arith.addi %mul3A_383, %add3A_389 : vector<16xi32>
      %gather3A_391 = tpu.vector_load_idx %arg14[%add3A_390] : memref<20480xf32, #tpu.memory_space<vmem>>[vector<16xi32>], vector<16xf32>,
      %gather3A_392 = tpu.vector_load_idx %arg15[%get3A_377] : memref<10240xf32, #tpu.memory_space<vmem>>[vector<16xi32>], vector<16xf32>,
      %mul3A_393 = arith.mulf %gather3A_387, %gather3A_392 : vector<16xf32>
      tpu.vector_store_idx %arg16[%mul3A_386], %mul3A_393 {add = true} : memref<20480xf32, #tpu.memory_space<vmem>>[vector<16xi32>], vector<16xf32>,
      %add3A_394 = arith.constant 1 : i32
      %add3A_395 = vector.broadcast %add3A_394 : i32 to vector<16xi32>
      %add3A_396 = arith.addi %mul3A_386, %add3A_395 : vector<16xi32>
      %mul3A_397 = arith.mulf %gather3A_391, %gather3A_392 : vector<16xf32>
      tpu.vector_store_idx %arg16[%add3A_396], %mul3A_397 {add = true} : memref<20480xf32, #tpu.memory_space<vmem>>[vector<16xi32>], vector<16xf32>,
      %get3A_398 = arith.index_cast %scan3A_328 : i32 to index
      %get3A_399 = arith.constant 48 : index
      %get3A_400 = tpu.vector_load %arg12[%get3A_398, %get3A_399] {strides = array<i32>} : memref<158x128xi32, #tpu.memory_space<vmem>>, vector<16xi32>,
      %get3A_401 = arith.index_cast %scan3A_328 : i32 to index
      %get3A_402 = arith.constant 48 : index
      %get3A_403 = tpu.vector_load %arg13[%get3A_401, %get3A_402] {strides = array<i32>} : memref<158x128xi32, #tpu.memory_space<vmem>>, vector<16xi32>,
      %mul3A_404 = arith.constant 2 : i32
      %mul3A_405 = vector.broadcast %mul3A_404 : i32 to vector<16xi32>
      %mul3A_406 = arith.muli %get3A_400, %mul3A_405 : vector<16xi32>
      %mul3A_407 = arith.constant 2 : i32
      %mul3A_408 = vector.broadcast %mul3A_407 : i32 to vector<16xi32>
      %mul3A_409 = arith.muli %get3A_403, %mul3A_408 : vector<16xi32>
      %gather3A_410 = tpu.vector_load_idx %arg14[%mul3A_406] : memref<20480xf32, #tpu.memory_space<vmem>>[vector<16xi32>], vector<16xf32>,
      %add3A_411 = arith.constant 1 : i32
      %add3A_412 = vector.broadcast %add3A_411 : i32 to vector<16xi32>
      %add3A_413 = arith.addi %mul3A_406, %add3A_412 : vector<16xi32>
      %gather3A_414 = tpu.vector_load_idx %arg14[%add3A_413] : memref<20480xf32, #tpu.memory_space<vmem>>[vector<16xi32>], vector<16xf32>,
      %gather3A_415 = tpu.vector_load_idx %arg15[%get3A_400] : memref<10240xf32, #tpu.memory_space<vmem>>[vector<16xi32>], vector<16xf32>,
      %mul3A_416 = arith.mulf %gather3A_410, %gather3A_415 : vector<16xf32>
      tpu.vector_store_idx %arg16[%mul3A_409], %mul3A_416 {add = true} : memref<20480xf32, #tpu.memory_space<vmem>>[vector<16xi32>], vector<16xf32>,
      %add3A_417 = arith.constant 1 : i32
      %add3A_418 = vector.broadcast %add3A_417 : i32 to vector<16xi32>
      %add3A_419 = arith.addi %mul3A_409, %add3A_418 : vector<16xi32>
      %mul3A_420 = arith.mulf %gather3A_414, %gather3A_415 : vector<16xf32>
      tpu.vector_store_idx %arg16[%add3A_419], %mul3A_420 {add = true} : memref<20480xf32, #tpu.memory_space<vmem>>[vector<16xi32>], vector<16xf32>,
      %get3A_421 = arith.index_cast %scan3A_328 : i32 to index
      %get3A_422 = arith.constant 64 : index
      %get3A_423 = tpu.vector_load %arg12[%get3A_421, %get3A_422] {strides = array<i32>} : memref<158x128xi32, #tpu.memory_space<vmem>>, vector<16xi32>,
      %get3A_424 = arith.index_cast %scan3A_328 : i32 to index
      %get3A_425 = arith.constant 64 : index
      %get3A_426 = tpu.vector_load %arg13[%get3A_424, %get3A_425] {strides = array<i32>} : memref<158x128xi32, #tpu.memory_space<vmem>>, vector<16xi32>,
      %mul3A_427 = arith.constant 2 : i32
      %mul3A_428 = vector.broadcast %mul3A_427 : i32 to vector<16xi32>
      %mul3A_429 = arith.muli %get3A_423, %mul3A_428 : vector<16xi32>
      %mul3A_430 = arith.constant 2 : i32
      %mul3A_431 = vector.broadcast %mul3A_430 : i32 to vector<16xi32>
      %mul3A_432 = arith.muli %get3A_426, %mul3A_431 : vector<16xi32>
      %gather3A_433 = tpu.vector_load_idx %arg14[%mul3A_429] : memref<20480xf32, #tpu.memory_space<vmem>>[vector<16xi32>], vector<16xf32>,
      %add3A_434 = arith.constant 1 : i32
      %add3A_435 = vector.broadcast %add3A_434 : i32 to vector<16xi32>
      %add3A_436 = arith.addi %mul3A_429, %add3A_435 : vector<16xi32>
      %gather3A_437 = tpu.vector_load_idx %arg14[%add3A_436] : memref<20480xf32, #tpu.memory_space<vmem>>[vector<16xi32>], vector<16xf32>,
      %gather3A_438 = tpu.vector_load_idx %arg15[%get3A_423] : memref<10240xf32, #tpu.memory_space<vmem>>[vector<16xi32>], vector<16xf32>,
      %mul3A_439 = arith.mulf %gather3A_433, %gather3A_438 : vector<16xf32>
      tpu.vector_store_idx %arg16[%mul3A_432], %mul3A_439 {add = true} : memref<20480xf32, #tpu.memory_space<vmem>>[vector<16xi32>], vector<16xf32>,
      %add3A_440 = arith.constant 1 : i32
      %add3A_441 = vector.broadcast %add3A_440 : i32 to vector<16xi32>
      %add3A_442 = arith.addi %mul3A_432, %add3A_441 : vector<16xi32>
      %mul3A_443 = arith.mulf %gather3A_437, %gather3A_438 : vector<16xf32>
      tpu.vector_store_idx %arg16[%add3A_442], %mul3A_443 {add = true} : memref<20480xf32, #tpu.memory_space<vmem>>[vector<16xi32>], vector<16xf32>,
      %get3A_444 = arith.index_cast %scan3A_328 : i32 to index
      %get3A_445 = arith.constant 80 : index
      %get3A_446 = tpu.vector_load %arg12[%get3A_444, %get3A_445] {strides = array<i32>} : memref<158x128xi32, #tpu.memory_space<vmem>>, vector<16xi32>,
      %get3A_447 = arith.index_cast %scan3A_328 : i32 to index
      %get3A_448 = arith.constant 80 : index
      %get3A_449 = tpu.vector_load %arg13[%get3A_447, %get3A_448] {strides = array<i32>} : memref<158x128xi32, #tpu.memory_space<vmem>>, vector<16xi32>,
      %mul3A_450 = arith.constant 2 : i32
      %mul3A_451 = vector.broadcast %mul3A_450 : i32 to vector<16xi32>
      %mul3A_452 = arith.muli %get3A_446, %mul3A_451 : vector<16xi32>
      %mul3A_453 = arith.constant 2 : i32
      %mul3A_454 = vector.broadcast %mul3A_453 : i32 to vector<16xi32>
      %mul3A_455 = arith.muli %get3A_449, %mul3A_454 : vector<16xi32>
      %gather3A_456 = tpu.vector_load_idx %arg14[%mul3A_452] : memref<20480xf32, #tpu.memory_space<vmem>>[vector<16xi32>], vector<16xf32>,
      %add3A_457 = arith.constant 1 : i32
      %add3A_458 = vector.broadcast %add3A_457 : i32 to vector<16xi32>
      %add3A_459 = arith.addi %mul3A_452, %add3A_458 : vector<16xi32>
      %gather3A_460 = tpu.vector_load_idx %arg14[%add3A_459] : memref<20480xf32, #tpu.memory_space<vmem>>[vector<16xi32>], vector<16xf32>,
      %gather3A_461 = tpu.vector_load_idx %arg15[%get3A_446] : memref<10240xf32, #tpu.memory_space<vmem>>[vector<16xi32>], vector<16xf32>,
      %mul3A_462 = arith.mulf %gather3A_456, %gather3A_461 : vector<16xf32>
      tpu.vector_store_idx %arg16[%mul3A_455], %mul3A_462 {add = true} : memref<20480xf32, #tpu.memory_space<vmem>>[vector<16xi32>], vector<16xf32>,
      %add3A_463 = arith.constant 1 : i32
      %add3A_464 = vector.broadcast %add3A_463 : i32 to vector<16xi32>
      %add3A_465 = arith.addi %mul3A_455, %add3A_464 : vector<16xi32>
      %mul3A_466 = arith.mulf %gather3A_460, %gather3A_461 : vector<16xf32>
      tpu.vector_store_idx %arg16[%add3A_465], %mul3A_466 {add = true} : memref<20480xf32, #tpu.memory_space<vmem>>[vector<16xi32>], vector<16xf32>,
      %get3A_467 = arith.index_cast %scan3A_328 : i32 to index
      %get3A_468 = arith.constant 96 : index
      %get3A_469 = tpu.vector_load %arg12[%get3A_467, %get3A_468] {strides = array<i32>} : memref<158x128xi32, #tpu.memory_space<vmem>>, vector<16xi32>,
      %get3A_470 = arith.index_cast %scan3A_328 : i32 to index
      %get3A_471 = arith.constant 96 : index
      %get3A_472 = tpu.vector_load %arg13[%get3A_470, %get3A_471] {strides = array<i32>} : memref<158x128xi32, #tpu.memory_space<vmem>>, vector<16xi32>,
      %mul3A_473 = arith.constant 2 : i32
      %mul3A_474 = vector.broadcast %mul3A_473 : i32 to vector<16xi32>
      %mul3A_475 = arith.muli %get3A_469, %mul3A_474 : vector<16xi32>
      %mul3A_476 = arith.constant 2 : i32
      %mul3A_477 = vector.broadcast %mul3A_476 : i32 to vector<16xi32>
      %mul3A_478 = arith.muli %get3A_472, %mul3A_477 : vector<16xi32>
      %gather3A_479 = tpu.vector_load_idx %arg14[%mul3A_475] : memref<20480xf32, #tpu.memory_space<vmem>>[vector<16xi32>], vector<16xf32>,
      %add3A_480 = arith.constant 1 : i32
      %add3A_481 = vector.broadcast %add3A_480 : i32 to vector<16xi32>
      %add3A_482 = arith.addi %mul3A_475, %add3A_481 : vector<16xi32>
      %gather3A_483 = tpu.vector_load_idx %arg14[%add3A_482] : memref<20480xf32, #tpu.memory_space<vmem>>[vector<16xi32>], vector<16xf32>,
      %gather3A_484 = tpu.vector_load_idx %arg15[%get3A_469] : memref<10240xf32, #tpu.memory_space<vmem>>[vector<16xi32>], vector<16xf32>,
      %mul3A_485 = arith.mulf %gather3A_479, %gather3A_484 : vector<16xf32>
      tpu.vector_store_idx %arg16[%mul3A_478], %mul3A_485 {add = true} : memref<20480xf32, #tpu.memory_space<vmem>>[vector<16xi32>], vector<16xf32>,
      %add3A_486 = arith.constant 1 : i32
      %add3A_487 = vector.broadcast %add3A_486 : i32 to vector<16xi32>
      %add3A_488 = arith.addi %mul3A_478, %add3A_487 : vector<16xi32>
      %mul3A_489 = arith.mulf %gather3A_483, %gather3A_484 : vector<16xf32>
      tpu.vector_store_idx %arg16[%add3A_488], %mul3A_489 {add = true} : memref<20480xf32, #tpu.memory_space<vmem>>[vector<16xi32>], vector<16xf32>,
      %get3A_490 = arith.index_cast %scan3A_328 : i32 to index
      %get3A_491 = arith.constant 112 : index
      %get3A_492 = tpu.vector_load %arg12[%get3A_490, %get3A_491] {strides = array<i32>} : memref<158x128xi32, #tpu.memory_space<vmem>>, vector<16xi32>,
      %get3A_493 = arith.index_cast %scan3A_328 : i32 to index
      %get3A_494 = arith.constant 112 : index
      %get3A_495 = tpu.vector_load %arg13[%get3A_493, %get3A_494] {strides = array<i32>} : memref<158x128xi32, #tpu.memory_space<vmem>>, vector<16xi32>,
      %mul3A_496 = arith.constant 2 : i32
      %mul3A_497 = vector.broadcast %mul3A_496 : i32 to vector<16xi32>
      %mul3A_498 = arith.muli %get3A_492, %mul3A_497 : vector<16xi32>
      %mul3A_499 = arith.constant 2 : i32
      %mul3A_500 = vector.broadcast %mul3A_499 : i32 to vector<16xi32>
      %mul3A_501 = arith.muli %get3A_495, %mul3A_500 : vector<16xi32>
      %gather3A_502 = tpu.vector_load_idx %arg14[%mul3A_498] : memref<20480xf32, #tpu.memory_space<vmem>>[vector<16xi32>], vector<16xf32>,
      %add3A_503 = arith.constant 1 : i32
      %add3A_504 = vector.broadcast %add3A_503 : i32 to vector<16xi32>
      %add3A_505 = arith.addi %mul3A_498, %add3A_504 : vector<16xi32>
      %gather3A_506 = tpu.vector_load_idx %arg14[%add3A_505] : memref<20480xf32, #tpu.memory_space<vmem>>[vector<16xi32>], vector<16xf32>,
      %gather3A_507 = tpu.vector_load_idx %arg15[%get3A_492] : memref<10240xf32, #tpu.memory_space<vmem>>[vector<16xi32>], vector<16xf32>,
      %mul3A_508 = arith.mulf %gather3A_502, %gather3A_507 : vector<16xf32>
      tpu.vector_store_idx %arg16[%mul3A_501], %mul3A_508 {add = true} : memref<20480xf32, #tpu.memory_space<vmem>>[vector<16xi32>], vector<16xf32>,
      %add3A_509 = arith.constant 1 : i32
      %add3A_510 = vector.broadcast %add3A_509 : i32 to vector<16xi32>
      %add3A_511 = arith.addi %mul3A_501, %add3A_510 : vector<16xi32>
      %mul3A_512 = arith.mulf %gather3A_506, %gather3A_507 : vector<16xf32>
      tpu.vector_store_idx %arg16[%add3A_511], %mul3A_512 {add = true} : memref<20480xf32, #tpu.memory_space<vmem>>[vector<16xi32>], vector<16xf32>,
    }
    %scan3A_61 = arith.constant 158 : i32
    "tpu.region"() ({
      %run_scoped3A = tpu.sem_alloc : memref<!tpu.dma_semaphore, #tpu.memory_space<semaphore_mem>>
      %dma_start3A_328 = arith.constant 0 : i32
      %dma_start3A_329 = tpu.memref_slice %arg28[%arg1, %dma_start3A_328] : memref<16x20480xf32, #tpu.memory_space<vmem_shared>> -> memref<1x20480xf32, #tpu.memory_space<vmem_shared>>
      %dma_start3A_330 = tpu.memref_squeeze %dma_start3A_329 : memref<1x20480xf32, #tpu.memory_space<vmem_shared>> -> memref<20480xf32, #tpu.memory_space<vmem_shared>>
      %dma_start3A_331 = arith.constant 0 : i32
      %dma_start3A_332 = tpu.memref_slice %arg28[%arg1, %dma_start3A_331] : memref<16x20480xf32, #tpu.memory_space<vmem_shared>> -> memref<1x20480xf32, #tpu.memory_space<vmem_shared>>
      %dma_start3A_333 = tpu.memref_squeeze %dma_start3A_332 : memref<1x20480xf32, #tpu.memory_space<vmem_shared>> -> memref<20480xf32, #tpu.memory_space<vmem_shared>>
      tpu.enqueue_dma source(%arg16 : memref<20480xf32, #tpu.memory_space<vmem>>) target(%dma_start3A_333 : memref<20480xf32, #tpu.memory_space<vmem_shared>>) target_semaphore(%run_scoped3A : memref<!tpu.dma_semaphore, #tpu.memory_space<semaphore_mem>>)
      %dma_wait3A_334 = arith.constant 0 : i32
      %dma_wait3A_335 = tpu.memref_slice %arg28[%arg1, %dma_wait3A_334] : memref<16x20480xf32, #tpu.memory_space<vmem_shared>> -> memref<1x20480xf32, #tpu.memory_space<vmem_shared>>
      %dma_wait3A_336 = tpu.memref_squeeze %dma_wait3A_335 : memref<1x20480xf32, #tpu.memory_space<vmem_shared>> -> memref<20480xf32, #tpu.memory_space<vmem_shared>>
      %dma_wait3A_337 = arith.constant 0 : i32
      %dma_wait3A_338 = tpu.memref_slice %arg28[%arg1, %dma_wait3A_337] : memref<16x20480xf32, #tpu.memory_space<vmem_shared>> -> memref<1x20480xf32, #tpu.memory_space<vmem_shared>>
      %dma_wait3A_339 = tpu.memref_squeeze %dma_wait3A_338 : memref<1x20480xf32, #tpu.memory_space<vmem_shared>> -> memref<20480xf32, #tpu.memory_space<vmem_shared>>
      tpu.wait_dma2 semaphore(%run_scoped3A : memref<!tpu.dma_semaphore, #tpu.memory_space<semaphore_mem>>) src(%arg16 : memref<20480xf32, #tpu.memory_space<vmem>>) dst(%dma_wait3A_339 : memref<20480xf32, #tpu.memory_space<vmem_shared>>)
      tpu.yield
    }) : () -> ()
    %barrier3A_62 = arith.constant 0 : index
    tpu.barrier barrier_id(%barrier3A_62)
    %broadcast_in_dim3A_63 = arith.constant 0.000000e+00 : f32
    %broadcast_in_dim3A_64 = vector.broadcast %broadcast_in_dim3A_63 : f32 to vector<16xf32>
    %get3A = arith.constant 0 : index
    %get3A_65 = tpu.vector_load %arg23[%get3A] {strides = array<i32>} : memref<128xf32, #tpu.memory_space<vmem>>, vector<16xf32>,
    %add3A_66 = arith.constant 0 : i32
    %add3A_67 = vector.broadcast %add3A_66 : i32 to vector<16xi32>
    %add3A_68 = arith.addi %iota3A, %add3A_67 : vector<16xi32>
    %mul3A_69 = arith.constant 2 : i32
    %mul3A_70 = vector.broadcast %mul3A_69 : i32 to vector<16xi32>
    %mul3A_71 = arith.muli %add3A_68, %mul3A_70 : vector<16xi32>
    %add3A_72 = arith.constant 0 : i32
    %add3A_73 = vector.broadcast %add3A_72 : i32 to vector<16xi32>
    %add3A_74 = arith.addi %mul3A_71, %add3A_73 : vector<16xi32>
    %gather3A = tpu.vector_load_idx %arg24[%add3A_74] : memref<256xf32, #tpu.memory_space<vmem>>[vector<16xi32>], vector<16xf32>,
    %mul3A_75 = arith.mulf %get3A_65, %gather3A : vector<16xf32>
    %add3A_76 = arith.addf %broadcast_in_dim3A_64, %mul3A_75 : vector<16xf32>
    %get3A_77 = arith.constant 16 : index
    %get3A_78 = tpu.vector_load %arg23[%get3A_77] {strides = array<i32>} : memref<128xf32, #tpu.memory_space<vmem>>, vector<16xf32>,
    %add3A_79 = arith.constant 16 : i32
    %add3A_80 = vector.broadcast %add3A_79 : i32 to vector<16xi32>
    %add3A_81 = arith.addi %iota3A, %add3A_80 : vector<16xi32>
    %mul3A_82 = arith.constant 2 : i32
    %mul3A_83 = vector.broadcast %mul3A_82 : i32 to vector<16xi32>
    %mul3A_84 = arith.muli %add3A_81, %mul3A_83 : vector<16xi32>
    %add3A_85 = arith.constant 0 : i32
    %add3A_86 = vector.broadcast %add3A_85 : i32 to vector<16xi32>
    %add3A_87 = arith.addi %mul3A_84, %add3A_86 : vector<16xi32>
    %gather3A_88 = tpu.vector_load_idx %arg24[%add3A_87] : memref<256xf32, #tpu.memory_space<vmem>>[vector<16xi32>], vector<16xf32>,
    %mul3A_89 = arith.mulf %get3A_78, %gather3A_88 : vector<16xf32>
    %add3A_90 = arith.addf %add3A_76, %mul3A_89 : vector<16xf32>
    %get3A_91 = arith.constant 32 : index
    %get3A_92 = tpu.vector_load %arg23[%get3A_91] {strides = array<i32>} : memref<128xf32, #tpu.memory_space<vmem>>, vector<16xf32>,
    %add3A_93 = arith.constant 32 : i32
    %add3A_94 = vector.broadcast %add3A_93 : i32 to vector<16xi32>
    %add3A_95 = arith.addi %iota3A, %add3A_94 : vector<16xi32>
    %mul3A_96 = arith.constant 2 : i32
    %mul3A_97 = vector.broadcast %mul3A_96 : i32 to vector<16xi32>
    %mul3A_98 = arith.muli %add3A_95, %mul3A_97 : vector<16xi32>
    %add3A_99 = arith.constant 0 : i32
    %add3A_100 = vector.broadcast %add3A_99 : i32 to vector<16xi32>
    %add3A_101 = arith.addi %mul3A_98, %add3A_100 : vector<16xi32>
    %gather3A_102 = tpu.vector_load_idx %arg24[%add3A_101] : memref<256xf32, #tpu.memory_space<vmem>>[vector<16xi32>], vector<16xf32>,
    %mul3A_103 = arith.mulf %get3A_92, %gather3A_102 : vector<16xf32>
    %add3A_104 = arith.addf %add3A_90, %mul3A_103 : vector<16xf32>
    %get3A_105 = arith.constant 48 : index
    %get3A_106 = tpu.vector_load %arg23[%get3A_105] {strides = array<i32>} : memref<128xf32, #tpu.memory_space<vmem>>, vector<16xf32>,
    %add3A_107 = arith.constant 48 : i32
    %add3A_108 = vector.broadcast %add3A_107 : i32 to vector<16xi32>
    %add3A_109 = arith.addi %iota3A, %add3A_108 : vector<16xi32>
    %mul3A_110 = arith.constant 2 : i32
    %mul3A_111 = vector.broadcast %mul3A_110 : i32 to vector<16xi32>
    %mul3A_112 = arith.muli %add3A_109, %mul3A_111 : vector<16xi32>
    %add3A_113 = arith.constant 0 : i32
    %add3A_114 = vector.broadcast %add3A_113 : i32 to vector<16xi32>
    %add3A_115 = arith.addi %mul3A_112, %add3A_114 : vector<16xi32>
    %gather3A_116 = tpu.vector_load_idx %arg24[%add3A_115] : memref<256xf32, #tpu.memory_space<vmem>>[vector<16xi32>], vector<16xf32>,
    %mul3A_117 = arith.mulf %get3A_106, %gather3A_116 : vector<16xf32>
    %add3A_118 = arith.addf %add3A_104, %mul3A_117 : vector<16xf32>
    %get3A_119 = arith.constant 64 : index
    %get3A_120 = tpu.vector_load %arg23[%get3A_119] {strides = array<i32>} : memref<128xf32, #tpu.memory_space<vmem>>, vector<16xf32>,
    %add3A_121 = arith.constant 64 : i32
    %add3A_122 = vector.broadcast %add3A_121 : i32 to vector<16xi32>
    %add3A_123 = arith.addi %iota3A, %add3A_122 : vector<16xi32>
    %mul3A_124 = arith.constant 2 : i32
    %mul3A_125 = vector.broadcast %mul3A_124 : i32 to vector<16xi32>
    %mul3A_126 = arith.muli %add3A_123, %mul3A_125 : vector<16xi32>
    %add3A_127 = arith.constant 0 : i32
    %add3A_128 = vector.broadcast %add3A_127 : i32 to vector<16xi32>
    %add3A_129 = arith.addi %mul3A_126, %add3A_128 : vector<16xi32>
    %gather3A_130 = tpu.vector_load_idx %arg24[%add3A_129] : memref<256xf32, #tpu.memory_space<vmem>>[vector<16xi32>], vector<16xf32>,
    %mul3A_131 = arith.mulf %get3A_120, %gather3A_130 : vector<16xf32>
    %add3A_132 = arith.addf %add3A_118, %mul3A_131 : vector<16xf32>
    %get3A_133 = arith.constant 80 : index
    %get3A_134 = tpu.vector_load %arg23[%get3A_133] {strides = array<i32>} : memref<128xf32, #tpu.memory_space<vmem>>, vector<16xf32>,
    %add3A_135 = arith.constant 80 : i32
    %add3A_136 = vector.broadcast %add3A_135 : i32 to vector<16xi32>
    %add3A_137 = arith.addi %iota3A, %add3A_136 : vector<16xi32>
    %mul3A_138 = arith.constant 2 : i32
    %mul3A_139 = vector.broadcast %mul3A_138 : i32 to vector<16xi32>
    %mul3A_140 = arith.muli %add3A_137, %mul3A_139 : vector<16xi32>
    %add3A_141 = arith.constant 0 : i32
    %add3A_142 = vector.broadcast %add3A_141 : i32 to vector<16xi32>
    %add3A_143 = arith.addi %mul3A_140, %add3A_142 : vector<16xi32>
    %gather3A_144 = tpu.vector_load_idx %arg24[%add3A_143] : memref<256xf32, #tpu.memory_space<vmem>>[vector<16xi32>], vector<16xf32>,
    %mul3A_145 = arith.mulf %get3A_134, %gather3A_144 : vector<16xf32>
    %add3A_146 = arith.addf %add3A_132, %mul3A_145 : vector<16xf32>
    %get3A_147 = arith.constant 96 : index
    %get3A_148 = tpu.vector_load %arg23[%get3A_147] {strides = array<i32>} : memref<128xf32, #tpu.memory_space<vmem>>, vector<16xf32>,
    %add3A_149 = arith.constant 96 : i32
    %add3A_150 = vector.broadcast %add3A_149 : i32 to vector<16xi32>
    %add3A_151 = arith.addi %iota3A, %add3A_150 : vector<16xi32>
    %mul3A_152 = arith.constant 2 : i32
    %mul3A_153 = vector.broadcast %mul3A_152 : i32 to vector<16xi32>
    %mul3A_154 = arith.muli %add3A_151, %mul3A_153 : vector<16xi32>
    %add3A_155 = arith.constant 0 : i32
    %add3A_156 = vector.broadcast %add3A_155 : i32 to vector<16xi32>
    %add3A_157 = arith.addi %mul3A_154, %add3A_156 : vector<16xi32>
    %gather3A_158 = tpu.vector_load_idx %arg24[%add3A_157] : memref<256xf32, #tpu.memory_space<vmem>>[vector<16xi32>], vector<16xf32>,
    %mul3A_159 = arith.mulf %get3A_148, %gather3A_158 : vector<16xf32>
    %add3A_160 = arith.addf %add3A_146, %mul3A_159 : vector<16xf32>
    %get3A_161 = arith.constant 112 : index
    %get3A_162 = tpu.vector_load %arg23[%get3A_161] {strides = array<i32>} : memref<128xf32, #tpu.memory_space<vmem>>, vector<16xf32>,
    %add3A_163 = arith.constant 112 : i32
    %add3A_164 = vector.broadcast %add3A_163 : i32 to vector<16xi32>
    %add3A_165 = arith.addi %iota3A, %add3A_164 : vector<16xi32>
    %mul3A_166 = arith.constant 2 : i32
    %mul3A_167 = vector.broadcast %mul3A_166 : i32 to vector<16xi32>
    %mul3A_168 = arith.muli %add3A_165, %mul3A_167 : vector<16xi32>
    %add3A_169 = arith.constant 0 : i32
    %add3A_170 = vector.broadcast %add3A_169 : i32 to vector<16xi32>
    %add3A_171 = arith.addi %mul3A_168, %add3A_170 : vector<16xi32>
    %gather3A_172 = tpu.vector_load_idx %arg24[%add3A_171] : memref<256xf32, #tpu.memory_space<vmem>>[vector<16xi32>], vector<16xf32>,
    %mul3A_173 = arith.mulf %get3A_162, %gather3A_172 : vector<16xf32>
    %add3A_174 = arith.addf %add3A_160, %mul3A_173 : vector<16xf32>
    %broadcast_in_dim3A_175 = arith.constant 0 : i32
    %broadcast_in_dim3A_176 = vector.broadcast %broadcast_in_dim3A_175 : i32 to vector<16xi32>
    %gather3A_177 = tpu.vector_load_idx %arg25[%broadcast_in_dim3A_176] : memref<8xf32, #tpu.memory_space<vmem>>[vector<16xi32>], vector<16xf32>,
    %reduce_sum3A = arith.constant true
    %reduce_sum3A_178 = vector.broadcast %reduce_sum3A : i1 to vector<16xi1>
    %reduce_sum3A_179 = tpu.scan <sum>, %add3A_174 masked %reduce_sum3A_178 : vector<16xf32>, vector<16xi1> -> vector<16xf32>
    %reduce_sum3A_180 = vector.extract %reduce_sum3A_179[15] : f32 from vector<16xf32>
    %broadcast_in_dim3A_181 = vector.broadcast %reduce_sum3A_180 : f32 to vector<16xf32>
    %add3A_182 = arith.addf %broadcast_in_dim3A_181, %gather3A_177 : vector<16xf32>
    %broadcast_in_dim3A_183 = arith.constant 0.000000e+00 : f32
    %broadcast_in_dim3A_184 = vector.broadcast %broadcast_in_dim3A_183 : f32 to vector<16xf32>
    %get3A_185 = arith.constant 0 : index
    %get3A_186 = tpu.vector_load %arg23[%get3A_185] {strides = array<i32>} : memref<128xf32, #tpu.memory_space<vmem>>, vector<16xf32>,
    %add3A_187 = arith.constant 0 : i32
    %add3A_188 = vector.broadcast %add3A_187 : i32 to vector<16xi32>
    %add3A_189 = arith.addi %iota3A, %add3A_188 : vector<16xi32>
    %mul3A_190 = arith.constant 2 : i32
    %mul3A_191 = vector.broadcast %mul3A_190 : i32 to vector<16xi32>
    %mul3A_192 = arith.muli %add3A_189, %mul3A_191 : vector<16xi32>
    %add3A_193 = arith.constant 1 : i32
    %add3A_194 = vector.broadcast %add3A_193 : i32 to vector<16xi32>
    %add3A_195 = arith.addi %mul3A_192, %add3A_194 : vector<16xi32>
    %gather3A_196 = tpu.vector_load_idx %arg24[%add3A_195] : memref<256xf32, #tpu.memory_space<vmem>>[vector<16xi32>], vector<16xf32>,
    %mul3A_197 = arith.mulf %get3A_186, %gather3A_196 : vector<16xf32>
    %add3A_198 = arith.addf %broadcast_in_dim3A_184, %mul3A_197 : vector<16xf32>
    %get3A_199 = arith.constant 16 : index
    %get3A_200 = tpu.vector_load %arg23[%get3A_199] {strides = array<i32>} : memref<128xf32, #tpu.memory_space<vmem>>, vector<16xf32>,
    %add3A_201 = arith.constant 16 : i32
    %add3A_202 = vector.broadcast %add3A_201 : i32 to vector<16xi32>
    %add3A_203 = arith.addi %iota3A, %add3A_202 : vector<16xi32>
    %mul3A_204 = arith.constant 2 : i32
    %mul3A_205 = vector.broadcast %mul3A_204 : i32 to vector<16xi32>
    %mul3A_206 = arith.muli %add3A_203, %mul3A_205 : vector<16xi32>
    %add3A_207 = arith.constant 1 : i32
    %add3A_208 = vector.broadcast %add3A_207 : i32 to vector<16xi32>
    %add3A_209 = arith.addi %mul3A_206, %add3A_208 : vector<16xi32>
    %gather3A_210 = tpu.vector_load_idx %arg24[%add3A_209] : memref<256xf32, #tpu.memory_space<vmem>>[vector<16xi32>], vector<16xf32>,
    %mul3A_211 = arith.mulf %get3A_200, %gather3A_210 : vector<16xf32>
    %add3A_212 = arith.addf %add3A_198, %mul3A_211 : vector<16xf32>
    %get3A_213 = arith.constant 32 : index
    %get3A_214 = tpu.vector_load %arg23[%get3A_213] {strides = array<i32>} : memref<128xf32, #tpu.memory_space<vmem>>, vector<16xf32>,
    %add3A_215 = arith.constant 32 : i32
    %add3A_216 = vector.broadcast %add3A_215 : i32 to vector<16xi32>
    %add3A_217 = arith.addi %iota3A, %add3A_216 : vector<16xi32>
    %mul3A_218 = arith.constant 2 : i32
    %mul3A_219 = vector.broadcast %mul3A_218 : i32 to vector<16xi32>
    %mul3A_220 = arith.muli %add3A_217, %mul3A_219 : vector<16xi32>
    %add3A_221 = arith.constant 1 : i32
    %add3A_222 = vector.broadcast %add3A_221 : i32 to vector<16xi32>
    %add3A_223 = arith.addi %mul3A_220, %add3A_222 : vector<16xi32>
    %gather3A_224 = tpu.vector_load_idx %arg24[%add3A_223] : memref<256xf32, #tpu.memory_space<vmem>>[vector<16xi32>], vector<16xf32>,
    %mul3A_225 = arith.mulf %get3A_214, %gather3A_224 : vector<16xf32>
    %add3A_226 = arith.addf %add3A_212, %mul3A_225 : vector<16xf32>
    %get3A_227 = arith.constant 48 : index
    %get3A_228 = tpu.vector_load %arg23[%get3A_227] {strides = array<i32>} : memref<128xf32, #tpu.memory_space<vmem>>, vector<16xf32>,
    %add3A_229 = arith.constant 48 : i32
    %add3A_230 = vector.broadcast %add3A_229 : i32 to vector<16xi32>
    %add3A_231 = arith.addi %iota3A, %add3A_230 : vector<16xi32>
    %mul3A_232 = arith.constant 2 : i32
    %mul3A_233 = vector.broadcast %mul3A_232 : i32 to vector<16xi32>
    %mul3A_234 = arith.muli %add3A_231, %mul3A_233 : vector<16xi32>
    %add3A_235 = arith.constant 1 : i32
    %add3A_236 = vector.broadcast %add3A_235 : i32 to vector<16xi32>
    %add3A_237 = arith.addi %mul3A_234, %add3A_236 : vector<16xi32>
    %gather3A_238 = tpu.vector_load_idx %arg24[%add3A_237] : memref<256xf32, #tpu.memory_space<vmem>>[vector<16xi32>], vector<16xf32>,
    %mul3A_239 = arith.mulf %get3A_228, %gather3A_238 : vector<16xf32>
    %add3A_240 = arith.addf %add3A_226, %mul3A_239 : vector<16xf32>
    %get3A_241 = arith.constant 64 : index
    %get3A_242 = tpu.vector_load %arg23[%get3A_241] {strides = array<i32>} : memref<128xf32, #tpu.memory_space<vmem>>, vector<16xf32>,
    %add3A_243 = arith.constant 64 : i32
    %add3A_244 = vector.broadcast %add3A_243 : i32 to vector<16xi32>
    %add3A_245 = arith.addi %iota3A, %add3A_244 : vector<16xi32>
    %mul3A_246 = arith.constant 2 : i32
    %mul3A_247 = vector.broadcast %mul3A_246 : i32 to vector<16xi32>
    %mul3A_248 = arith.muli %add3A_245, %mul3A_247 : vector<16xi32>
    %add3A_249 = arith.constant 1 : i32
    %add3A_250 = vector.broadcast %add3A_249 : i32 to vector<16xi32>
    %add3A_251 = arith.addi %mul3A_248, %add3A_250 : vector<16xi32>
    %gather3A_252 = tpu.vector_load_idx %arg24[%add3A_251] : memref<256xf32, #tpu.memory_space<vmem>>[vector<16xi32>], vector<16xf32>,
    %mul3A_253 = arith.mulf %get3A_242, %gather3A_252 : vector<16xf32>
    %add3A_254 = arith.addf %add3A_240, %mul3A_253 : vector<16xf32>
    %get3A_255 = arith.constant 80 : index
    %get3A_256 = tpu.vector_load %arg23[%get3A_255] {strides = array<i32>} : memref<128xf32, #tpu.memory_space<vmem>>, vector<16xf32>,
    %add3A_257 = arith.constant 80 : i32
    %add3A_258 = vector.broadcast %add3A_257 : i32 to vector<16xi32>
    %add3A_259 = arith.addi %iota3A, %add3A_258 : vector<16xi32>
    %mul3A_260 = arith.constant 2 : i32
    %mul3A_261 = vector.broadcast %mul3A_260 : i32 to vector<16xi32>
    %mul3A_262 = arith.muli %add3A_259, %mul3A_261 : vector<16xi32>
    %add3A_263 = arith.constant 1 : i32
    %add3A_264 = vector.broadcast %add3A_263 : i32 to vector<16xi32>
    %add3A_265 = arith.addi %mul3A_262, %add3A_264 : vector<16xi32>
    %gather3A_266 = tpu.vector_load_idx %arg24[%add3A_265] : memref<256xf32, #tpu.memory_space<vmem>>[vector<16xi32>], vector<16xf32>,
    %mul3A_267 = arith.mulf %get3A_256, %gather3A_266 : vector<16xf32>
    %add3A_268 = arith.addf %add3A_254, %mul3A_267 : vector<16xf32>
    %get3A_269 = arith.constant 96 : index
    %get3A_270 = tpu.vector_load %arg23[%get3A_269] {strides = array<i32>} : memref<128xf32, #tpu.memory_space<vmem>>, vector<16xf32>,
    %add3A_271 = arith.constant 96 : i32
    %add3A_272 = vector.broadcast %add3A_271 : i32 to vector<16xi32>
    %add3A_273 = arith.addi %iota3A, %add3A_272 : vector<16xi32>
    %mul3A_274 = arith.constant 2 : i32
    %mul3A_275 = vector.broadcast %mul3A_274 : i32 to vector<16xi32>
    %mul3A_276 = arith.muli %add3A_273, %mul3A_275 : vector<16xi32>
    %add3A_277 = arith.constant 1 : i32
    %add3A_278 = vector.broadcast %add3A_277 : i32 to vector<16xi32>
    %add3A_279 = arith.addi %mul3A_276, %add3A_278 : vector<16xi32>
    %gather3A_280 = tpu.vector_load_idx %arg24[%add3A_279] : memref<256xf32, #tpu.memory_space<vmem>>[vector<16xi32>], vector<16xf32>,
    %mul3A_281 = arith.mulf %get3A_270, %gather3A_280 : vector<16xf32>
    %add3A_282 = arith.addf %add3A_268, %mul3A_281 : vector<16xf32>
    %get3A_283 = arith.constant 112 : index
    %get3A_284 = tpu.vector_load %arg23[%get3A_283] {strides = array<i32>} : memref<128xf32, #tpu.memory_space<vmem>>, vector<16xf32>,
    %add3A_285 = arith.constant 112 : i32
    %add3A_286 = vector.broadcast %add3A_285 : i32 to vector<16xi32>
    %add3A_287 = arith.addi %iota3A, %add3A_286 : vector<16xi32>
    %mul3A_288 = arith.constant 2 : i32
    %mul3A_289 = vector.broadcast %mul3A_288 : i32 to vector<16xi32>
    %mul3A_290 = arith.muli %add3A_287, %mul3A_289 : vector<16xi32>
    %add3A_291 = arith.constant 1 : i32
    %add3A_292 = vector.broadcast %add3A_291 : i32 to vector<16xi32>
    %add3A_293 = arith.addi %mul3A_290, %add3A_292 : vector<16xi32>
    %gather3A_294 = tpu.vector_load_idx %arg24[%add3A_293] : memref<256xf32, #tpu.memory_space<vmem>>[vector<16xi32>], vector<16xf32>,
    %mul3A_295 = arith.mulf %get3A_284, %gather3A_294 : vector<16xf32>
    %add3A_296 = arith.addf %add3A_282, %mul3A_295 : vector<16xf32>
    %broadcast_in_dim3A_297 = arith.constant 1 : i32
    %broadcast_in_dim3A_298 = vector.broadcast %broadcast_in_dim3A_297 : i32 to vector<16xi32>
    %gather3A_299 = tpu.vector_load_idx %arg25[%broadcast_in_dim3A_298] : memref<8xf32, #tpu.memory_space<vmem>>[vector<16xi32>], vector<16xf32>,
    %reduce_sum3A_300 = arith.constant true
    %reduce_sum3A_301 = vector.broadcast %reduce_sum3A_300 : i1 to vector<16xi1>
    %reduce_sum3A_302 = tpu.scan <sum>, %add3A_296 masked %reduce_sum3A_301 : vector<16xf32>, vector<16xi1> -> vector<16xf32>
    %reduce_sum3A_303 = vector.extract %reduce_sum3A_302[15] : f32 from vector<16xf32>
    %broadcast_in_dim3A_304 = vector.broadcast %reduce_sum3A_303 : f32 to vector<16xf32>
    %add3A_305 = arith.addf %broadcast_in_dim3A_304, %gather3A_299 : vector<16xf32>
    %mul3A_306 = arith.constant 320 : i32
    %mul3A_307 = arith.muli %mul3A_306, %add3A : i32
    %mul3A_308 = arith.constant 2 : i32
    %mul3A_309 = arith.muli %mul3A_308, %mul3A_307 : i32
    "tpu.region"() ({
      %run_scoped3A = tpu.sem_alloc : memref<!tpu.dma_semaphore, #tpu.memory_space<semaphore_mem>>
      %dma_start3A_328 = arith.constant 0 : i32
      %dma_start3A_329 = tpu.memref_slice %arg28[%dma_start3A_328, %mul3A_309] : memref<16x20480xf32, #tpu.memory_space<vmem_shared>> -> memref<16x640xf32, #tpu.memory_space<vmem_shared>>
      %dma_start3A_330 = arith.constant 0 : i32
      %dma_start3A_331 = tpu.memref_slice %arg28[%dma_start3A_330, %mul3A_309] : memref<16x20480xf32, #tpu.memory_space<vmem_shared>> -> memref<16x640xf32, #tpu.memory_space<vmem_shared>>
      tpu.enqueue_dma source(%dma_start3A_331 : memref<16x640xf32, #tpu.memory_space<vmem_shared>>) target(%arg17 : memref<16x640xf32, #tpu.memory_space<vmem>>) target_semaphore(%run_scoped3A : memref<!tpu.dma_semaphore, #tpu.memory_space<semaphore_mem>>)
      %dma_wait3A_332 = arith.constant 0 : i32
      %dma_wait3A_333 = tpu.memref_slice %arg28[%dma_wait3A_332, %mul3A_309] : memref<16x20480xf32, #tpu.memory_space<vmem_shared>> -> memref<16x640xf32, #tpu.memory_space<vmem_shared>>
      %dma_wait3A_334 = arith.constant 0 : i32
      %dma_wait3A_335 = tpu.memref_slice %arg28[%dma_wait3A_334, %mul3A_309] : memref<16x20480xf32, #tpu.memory_space<vmem_shared>> -> memref<16x640xf32, #tpu.memory_space<vmem_shared>>
      tpu.wait_dma2 semaphore(%run_scoped3A : memref<!tpu.dma_semaphore, #tpu.memory_space<semaphore_mem>>) src(%dma_wait3A_335 : memref<16x640xf32, #tpu.memory_space<vmem_shared>>) dst(%arg17 : memref<16x640xf32, #tpu.memory_space<vmem>>)
      tpu.yield
    }) : () -> ()
    %scan3A_310 = arith.constant 0 : i32
    %scan3A_311 = arith.constant 0 : i32
    %scan3A_312 = arith.constant 40 : i32
    %scan3A_313 = arith.addi %scan3A_311, %scan3A_312 : i32
    %scan3A_314 = arith.constant 1 : i32
    scf.for %scan3A_328 = %scan3A_311 to %scan3A_313 step %scan3A_314  : i32 {
      %mul3A_329 = arith.constant 16 : i32
      %mul3A_330 = arith.muli %scan3A_328, %mul3A_329 : i32
      %get3A_331 = arith.constant 0 : i32
      %get3A_332 = arith.index_cast %get3A_331 : i32 to index
      %get3A_333 = arith.index_cast %mul3A_330 : i32 to index
      %get3A_334 = tpu.vector_load %arg17[%get3A_332, %get3A_333] {strides = array<i32>} : memref<16x640xf32, #tpu.memory_space<vmem>>, vector<16xf32>,
      %get3A_335 = arith.constant 1 : i32
      %get3A_336 = arith.index_cast %get3A_335 : i32 to index
      %get3A_337 = arith.index_cast %mul3A_330 : i32 to index
      %get3A_338 = tpu.vector_load %arg17[%get3A_336, %get3A_337] {strides = array<i32>} : memref<16x640xf32, #tpu.memory_space<vmem>>, vector<16xf32>,
      %add3A_339 = arith.addf %get3A_334, %get3A_338 : vector<16xf32>
      %get3A_340 = arith.constant 2 : i32
      %get3A_341 = arith.index_cast %get3A_340 : i32 to index
      %get3A_342 = arith.index_cast %mul3A_330 : i32 to index
      %get3A_343 = tpu.vector_load %arg17[%get3A_341, %get3A_342] {strides = array<i32>} : memref<16x640xf32, #tpu.memory_space<vmem>>, vector<16xf32>,
      %add3A_344 = arith.addf %add3A_339, %get3A_343 : vector<16xf32>
      %get3A_345 = arith.constant 3 : i32
      %get3A_346 = arith.index_cast %get3A_345 : i32 to index
      %get3A_347 = arith.index_cast %mul3A_330 : i32 to index
      %get3A_348 = tpu.vector_load %arg17[%get3A_346, %get3A_347] {strides = array<i32>} : memref<16x640xf32, #tpu.memory_space<vmem>>, vector<16xf32>,
      %add3A_349 = arith.addf %add3A_344, %get3A_348 : vector<16xf32>
      %get3A_350 = arith.constant 4 : i32
      %get3A_351 = arith.index_cast %get3A_350 : i32 to index
      %get3A_352 = arith.index_cast %mul3A_330 : i32 to index
      %get3A_353 = tpu.vector_load %arg17[%get3A_351, %get3A_352] {strides = array<i32>} : memref<16x640xf32, #tpu.memory_space<vmem>>, vector<16xf32>,
      %add3A_354 = arith.addf %add3A_349, %get3A_353 : vector<16xf32>
      %get3A_355 = arith.constant 5 : i32
      %get3A_356 = arith.index_cast %get3A_355 : i32 to index
      %get3A_357 = arith.index_cast %mul3A_330 : i32 to index
      %get3A_358 = tpu.vector_load %arg17[%get3A_356, %get3A_357] {strides = array<i32>} : memref<16x640xf32, #tpu.memory_space<vmem>>, vector<16xf32>,
      %add3A_359 = arith.addf %add3A_354, %get3A_358 : vector<16xf32>
      %get3A_360 = arith.constant 6 : i32
      %get3A_361 = arith.index_cast %get3A_360 : i32 to index
      %get3A_362 = arith.index_cast %mul3A_330 : i32 to index
      %get3A_363 = tpu.vector_load %arg17[%get3A_361, %get3A_362] {strides = array<i32>} : memref<16x640xf32, #tpu.memory_space<vmem>>, vector<16xf32>,
      %add3A_364 = arith.addf %add3A_359, %get3A_363 : vector<16xf32>
      %get3A_365 = arith.constant 7 : i32
      %get3A_366 = arith.index_cast %get3A_365 : i32 to index
      %get3A_367 = arith.index_cast %mul3A_330 : i32 to index
      %get3A_368 = tpu.vector_load %arg17[%get3A_366, %get3A_367] {strides = array<i32>} : memref<16x640xf32, #tpu.memory_space<vmem>>, vector<16xf32>,
      %add3A_369 = arith.addf %add3A_364, %get3A_368 : vector<16xf32>
      %get3A_370 = arith.constant 8 : i32
      %get3A_371 = arith.index_cast %get3A_370 : i32 to index
      %get3A_372 = arith.index_cast %mul3A_330 : i32 to index
      %get3A_373 = tpu.vector_load %arg17[%get3A_371, %get3A_372] {strides = array<i32>} : memref<16x640xf32, #tpu.memory_space<vmem>>, vector<16xf32>,
      %add3A_374 = arith.addf %add3A_369, %get3A_373 : vector<16xf32>
      %get3A_375 = arith.constant 9 : i32
      %get3A_376 = arith.index_cast %get3A_375 : i32 to index
      %get3A_377 = arith.index_cast %mul3A_330 : i32 to index
      %get3A_378 = tpu.vector_load %arg17[%get3A_376, %get3A_377] {strides = array<i32>} : memref<16x640xf32, #tpu.memory_space<vmem>>, vector<16xf32>,
      %add3A_379 = arith.addf %add3A_374, %get3A_378 : vector<16xf32>
      %get3A_380 = arith.constant 10 : i32
      %get3A_381 = arith.index_cast %get3A_380 : i32 to index
      %get3A_382 = arith.index_cast %mul3A_330 : i32 to index
      %get3A_383 = tpu.vector_load %arg17[%get3A_381, %get3A_382] {strides = array<i32>} : memref<16x640xf32, #tpu.memory_space<vmem>>, vector<16xf32>,
      %add3A_384 = arith.addf %add3A_379, %get3A_383 : vector<16xf32>
      %get3A_385 = arith.constant 11 : i32
      %get3A_386 = arith.index_cast %get3A_385 : i32 to index
      %get3A_387 = arith.index_cast %mul3A_330 : i32 to index
      %get3A_388 = tpu.vector_load %arg17[%get3A_386, %get3A_387] {strides = array<i32>} : memref<16x640xf32, #tpu.memory_space<vmem>>, vector<16xf32>,
      %add3A_389 = arith.addf %add3A_384, %get3A_388 : vector<16xf32>
      %get3A_390 = arith.constant 12 : i32
      %get3A_391 = arith.index_cast %get3A_390 : i32 to index
      %get3A_392 = arith.index_cast %mul3A_330 : i32 to index
      %get3A_393 = tpu.vector_load %arg17[%get3A_391, %get3A_392] {strides = array<i32>} : memref<16x640xf32, #tpu.memory_space<vmem>>, vector<16xf32>,
      %add3A_394 = arith.addf %add3A_389, %get3A_393 : vector<16xf32>
      %get3A_395 = arith.constant 13 : i32
      %get3A_396 = arith.index_cast %get3A_395 : i32 to index
      %get3A_397 = arith.index_cast %mul3A_330 : i32 to index
      %get3A_398 = tpu.vector_load %arg17[%get3A_396, %get3A_397] {strides = array<i32>} : memref<16x640xf32, #tpu.memory_space<vmem>>, vector<16xf32>,
      %add3A_399 = arith.addf %add3A_394, %get3A_398 : vector<16xf32>
      %get3A_400 = arith.constant 14 : i32
      %get3A_401 = arith.index_cast %get3A_400 : i32 to index
      %get3A_402 = arith.index_cast %mul3A_330 : i32 to index
      %get3A_403 = tpu.vector_load %arg17[%get3A_401, %get3A_402] {strides = array<i32>} : memref<16x640xf32, #tpu.memory_space<vmem>>, vector<16xf32>,
      %add3A_404 = arith.addf %add3A_399, %get3A_403 : vector<16xf32>
      %get3A_405 = arith.constant 15 : i32
      %get3A_406 = arith.index_cast %get3A_405 : i32 to index
      %get3A_407 = arith.index_cast %mul3A_330 : i32 to index
      %get3A_408 = tpu.vector_load %arg17[%get3A_406, %get3A_407] {strides = array<i32>} : memref<16x640xf32, #tpu.memory_space<vmem>>, vector<16xf32>,
      %add3A_409 = arith.addf %add3A_404, %get3A_408 : vector<16xf32>
      %swap3A = arith.index_cast %mul3A_330 : i32 to index
      %swap3A_410 = tpu.vector_load %arg18[%swap3A] {strides = array<i32>} : memref<640xf32, #tpu.memory_space<vmem>>, vector<16xf32>,
      tpu.vector_store %arg18[%swap3A], %add3A_409 {strides = array<i32>} : memref<640xf32, #tpu.memory_space<vmem>>, vector<16xf32>,
    }
    %scan3A_315 = arith.constant 40 : i32
    %scan3A_316 = arith.constant 0 : i32
    %scan3A_317 = arith.constant 0 : i32
    %scan3A_318 = arith.constant 20 : i32
    %scan3A_319 = arith.addi %scan3A_317, %scan3A_318 : i32
    %scan3A_320 = arith.constant 1 : i32
    scf.for %scan3A_328 = %scan3A_317 to %scan3A_319 step %scan3A_320  : i32 {
      %mul3A_329 = arith.constant 16 : i32
      %mul3A_330 = arith.muli %scan3A_328, %mul3A_329 : i32
      %add3A_331 = vector.broadcast %mul3A_330 : i32 to vector<16xi32>
      %add3A_332 = arith.addi %add3A_331, %iota3A : vector<16xi32>
      %mul3A_333 = arith.constant 2 : i32
      %mul3A_334 = vector.broadcast %mul3A_333 : i32 to vector<16xi32>
      %mul3A_335 = arith.muli %add3A_332, %mul3A_334 : vector<16xi32>
      %gather3A_336 = tpu.vector_load_idx %arg18[%mul3A_335] : memref<640xf32, #tpu.memory_space<vmem>>[vector<16xi32>], vector<16xf32>,
      %add3A_337 = arith.constant 1 : i32
      %add3A_338 = vector.broadcast %add3A_337 : i32 to vector<16xi32>
      %add3A_339 = arith.addi %mul3A_335, %add3A_338 : vector<16xi32>
      %gather3A_340 = tpu.vector_load_idx %arg18[%add3A_339] : memref<640xf32, #tpu.memory_space<vmem>>[vector<16xi32>], vector<16xf32>,
      %add3A_341 = arith.addi %mul3A_307, %mul3A_330 : i32
      %get3A_342 = arith.index_cast %add3A_341 : i32 to index
      %get3A_343 = tpu.vector_load %arg15[%get3A_342] {strides = array<i32>} : memref<10240xf32, #tpu.memory_space<vmem>>, vector<16xf32>,
      %add3A_344 = arith.addi %mul3A_307, %mul3A_330 : i32
      %add3A_345 = vector.broadcast %add3A_344 : i32 to vector<16xi32>
      %add3A_346 = arith.addi %add3A_345, %iota3A : vector<16xi32>
      %mul3A_347 = arith.constant 2 : i32
      %mul3A_348 = vector.broadcast %mul3A_347 : i32 to vector<16xi32>
      %mul3A_349 = arith.muli %add3A_346, %mul3A_348 : vector<16xi32>
      %gather3A_350 = tpu.vector_load_idx %arg14[%mul3A_349] : memref<20480xf32, #tpu.memory_space<vmem>>[vector<16xi32>], vector<16xf32>,
      %mul3A_351 = arith.constant 2 : i32
      %mul3A_352 = vector.broadcast %mul3A_351 : i32 to vector<16xi32>
      %mul3A_353 = arith.muli %add3A_346, %mul3A_352 : vector<16xi32>
      %add3A_354 = arith.constant 1 : i32
      %add3A_355 = vector.broadcast %add3A_354 : i32 to vector<16xi32>
      %add3A_356 = arith.addi %mul3A_353, %add3A_355 : vector<16xi32>
      %gather3A_357 = tpu.vector_load_idx %arg14[%add3A_356] : memref<20480xf32, #tpu.memory_space<vmem>>[vector<16xi32>], vector<16xf32>,
      %mul3A_358 = arith.mulf %gather3A_350, %get3A_343 : vector<16xf32>
      %add3A_359 = arith.addf %gather3A_336, %mul3A_358 : vector<16xf32>
      %mul3A_360 = arith.mulf %get3A_343, %add3A_359 : vector<16xf32>
      %add3A_361 = arith.addf %mul3A_360, %add3A_182 : vector<16xf32>
      %mul3A_362 = arith.mulf %gather3A_357, %get3A_343 : vector<16xf32>
      %add3A_363 = arith.addf %gather3A_340, %mul3A_362 : vector<16xf32>
      %mul3A_364 = arith.mulf %get3A_343, %add3A_363 : vector<16xf32>
      %add3A_365 = arith.addf %mul3A_364, %add3A_305 : vector<16xf32>
      %add3A_366 = vector.broadcast %mul3A_330 : i32 to vector<16xi32>
      %add3A_367 = arith.addi %add3A_366, %iota3A : vector<16xi32>
      %mul3A_368 = arith.constant 2 : i32
      %mul3A_369 = vector.broadcast %mul3A_368 : i32 to vector<16xi32>
      %mul3A_370 = arith.muli %add3A_367, %mul3A_369 : vector<16xi32>
      tpu.vector_store_idx %arg21[%mul3A_370], %add3A_361 : memref<640xf32, #tpu.memory_space<vmem>>[vector<16xi32>], vector<16xf32>,
      %add3A_371 = arith.constant 1 : i32
      %add3A_372 = vector.broadcast %add3A_371 : i32 to vector<16xi32>
      %add3A_373 = arith.addi %mul3A_370, %add3A_372 : vector<16xi32>
      tpu.vector_store_idx %arg21[%add3A_373], %add3A_365 : memref<640xf32, #tpu.memory_space<vmem>>[vector<16xi32>], vector<16xf32>,
    }
    %scan3A_321 = arith.constant 20 : i32
    %lt3A = arith.constant 31 : i32
    %lt3A_322 = arith.cmpi slt, %add3A, %lt3A : i32
    %convert_element_type3A = arith.extui %lt3A_322 : i1 to i32
    %cond3A = arith.constant 0 : i32
    %cond3A_323 = arith.cmpi ne, %convert_element_type3A, %cond3A : i32
    scf.if %cond3A_323 {
      %mul3A_328 = arith.constant 2 : i32
      %mul3A_329 = arith.muli %mul3A_328, %mul3A_307 : i32
      "tpu.region"() ({
        %run_scoped3A = tpu.sem_alloc : memref<!tpu.dma_semaphore, #tpu.memory_space<semaphore_mem>>
        %dma_start3A_330 = tpu.memref_slice %arg11[%mul3A_329] : memref<20000xf32, #tpu.memory_space<hbm>> -> memref<640xf32, #tpu.memory_space<hbm>>
        %dma_start3A_331 = tpu.memref_slice %arg11[%mul3A_329] : memref<20000xf32, #tpu.memory_space<hbm>> -> memref<640xf32, #tpu.memory_space<hbm>>
        tpu.enqueue_dma source(%arg21 : memref<640xf32, #tpu.memory_space<vmem>>) target(%dma_start3A_331 : memref<640xf32, #tpu.memory_space<hbm>>) target_semaphore(%run_scoped3A : memref<!tpu.dma_semaphore, #tpu.memory_space<semaphore_mem>>)
        %dma_wait3A_332 = tpu.memref_slice %arg11[%mul3A_329] : memref<20000xf32, #tpu.memory_space<hbm>> -> memref<640xf32, #tpu.memory_space<hbm>>
        %dma_wait3A_333 = tpu.memref_slice %arg11[%mul3A_329] : memref<20000xf32, #tpu.memory_space<hbm>> -> memref<640xf32, #tpu.memory_space<hbm>>
        tpu.wait_dma2 semaphore(%run_scoped3A : memref<!tpu.dma_semaphore, #tpu.memory_space<semaphore_mem>>) src(%arg21 : memref<640xf32, #tpu.memory_space<vmem>>) dst(%dma_wait3A_333 : memref<640xf32, #tpu.memory_space<hbm>>)
        tpu.yield
      }) : () -> ()
    } else {
    }
    %eq3A = arith.constant 31 : i32
    %eq3A_324 = arith.cmpi eq, %add3A, %eq3A : i32
    %convert_element_type3A_325 = arith.extui %eq3A_324 : i1 to i32
    %cond3A_326 = arith.constant 0 : i32
    %cond3A_327 = arith.cmpi ne, %convert_element_type3A_325, %cond3A_326 : i32
    scf.if %cond3A_327 {
      %mul3A_328 = arith.constant 2 : i32
      %mul3A_329 = arith.muli %mul3A_328, %mul3A_307 : i32
      "tpu.region"() ({
        %run_scoped3A = tpu.sem_alloc : memref<!tpu.dma_semaphore, #tpu.memory_space<semaphore_mem>>
        %dma_start3A_330 = arith.constant 0 : i32
        %dma_start3A_331 = tpu.memref_slice %arg21[%dma_start3A_330] : memref<640xf32, #tpu.memory_space<vmem>> -> memref<160xf32, #tpu.memory_space<vmem>>
        %dma_start3A_332 = tpu.memref_slice %arg11[%mul3A_329] : memref<20000xf32, #tpu.memory_space<hbm>> -> memref<160xf32, #tpu.memory_space<hbm>>
        %dma_start3A_333 = tpu.memref_slice %arg11[%mul3A_329] : memref<20000xf32, #tpu.memory_space<hbm>> -> memref<160xf32, #tpu.memory_space<hbm>>
        %dma_start3A_334 = arith.constant 0 : i32
        %dma_start3A_335 = tpu.memref_slice %arg21[%dma_start3A_334] : memref<640xf32, #tpu.memory_space<vmem>> -> memref<160xf32, #tpu.memory_space<vmem>>
        tpu.enqueue_dma source(%dma_start3A_335 : memref<160xf32, #tpu.memory_space<vmem>>) target(%dma_start3A_333 : memref<160xf32, #tpu.memory_space<hbm>>) target_semaphore(%run_scoped3A : memref<!tpu.dma_semaphore, #tpu.memory_space<semaphore_mem>>)
        %dma_wait3A_336 = arith.constant 0 : i32
        %dma_wait3A_337 = tpu.memref_slice %arg21[%dma_wait3A_336] : memref<640xf32, #tpu.memory_space<vmem>> -> memref<160xf32, #tpu.memory_space<vmem>>
        %dma_wait3A_338 = tpu.memref_slice %arg11[%mul3A_329] : memref<20000xf32, #tpu.memory_space<hbm>> -> memref<160xf32, #tpu.memory_space<hbm>>
        %dma_wait3A_339 = tpu.memref_slice %arg11[%mul3A_329] : memref<20000xf32, #tpu.memory_space<hbm>> -> memref<160xf32, #tpu.memory_space<hbm>>
        %dma_wait3A_340 = arith.constant 0 : i32
        %dma_wait3A_341 = tpu.memref_slice %arg21[%dma_wait3A_340] : memref<640xf32, #tpu.memory_space<vmem>> -> memref<160xf32, #tpu.memory_space<vmem>>
        tpu.wait_dma2 semaphore(%run_scoped3A : memref<!tpu.dma_semaphore, #tpu.memory_space<semaphore_mem>>) src(%dma_wait3A_341 : memref<160xf32, #tpu.memory_space<vmem>>) dst(%dma_wait3A_339 : memref<160xf32, #tpu.memory_space<hbm>>)
        tpu.yield
      }) : () -> ()
    } else {
    }
    return
  }
}

module attributes {stable_mosaic.version = 14 : i64} {
  func.func @body(%arg0: i32, %arg1: memref<2000x128xf32, #tpu.memory_space<vmem>>, %arg2: memref<128x128xf32, #tpu.memory_space<vmem>>, %arg3: memref<128x2xf32, #tpu.memory_space<vmem>>, %arg4: memref<2000x2xf32, #tpu.memory_space<vmem>>) attributes {dimension_semantics = [#tpu.dimension_semantics<arbitrary>], iteration_bounds = array<i64: 5>, scalar_prefetch = 0 : i64, scratch_operands = 0 : i64, tpu.core_type = #tpu.core_type<tc>, window_params = [{transform_indices = @transform_0, window_bounds = array<i64: 2000, 128>}, {pipeline_mode = #tpu.pipeline_mode<synchronous>, transform_indices = @transform_1, window_bounds = array<i64: 128, 128>}, {pipeline_mode = #tpu.pipeline_mode<synchronous>, transform_indices = @transform_2, window_bounds = array<i64: 128, 2>}, {transform_indices = @transform_3, window_bounds = array<i64: 2000, 2>}]} {
    %get3A = arith.constant 0 : index
    %get3A_0 = arith.constant 0 : index
    %get3A_1 = vector.load %arg2[%get3A, %get3A_0] : memref<128x128xf32, #tpu.memory_space<vmem>>, vector<128x128xf32>
    %get3A_2 = arith.constant 0 : index
    %get3A_3 = arith.constant 0 : index
    %get3A_4 = vector.load %arg3[%get3A_2, %get3A_3] : memref<128x2xf32, #tpu.memory_space<vmem>>, vector<128x2xf32>
    %dot_general3A = arith.constant dense<0.000000e+00> : vector<128x2xf32>
    %dot_general3A_5 = tpu.matmul %get3A_1, %get3A_4, %dot_general3A {dimension_numbers = #tpu.dot_dimension_numbers<[1], [0], [0], [1], [0, 0, 1, 1], [], []>, transpose_lhs_hint = false} : vector<128x128xf32>, vector<128x2xf32>, vector<128x2xf32> -> vector<128x2xf32>
    %get3A_6 = arith.constant 0 : index
    %get3A_7 = arith.constant 0 : index
    %get3A_8 = vector.load %arg1[%get3A_6, %get3A_7] : memref<2000x128xf32, #tpu.memory_space<vmem>>, vector<2000x128xf32>
    %dot_general3A_9 = arith.constant dense<0.000000e+00> : vector<2000x2xf32>
    %dot_general3A_10 = tpu.matmul %get3A_8, %dot_general3A_5, %dot_general3A_9 {dimension_numbers = #tpu.dot_dimension_numbers<[1], [0], [0], [1], [0, 0, 1, 1], [], []>, transpose_lhs_hint = false} : vector<2000x128xf32>, vector<128x2xf32>, vector<2000x2xf32> -> vector<2000x2xf32>
    %swap3A = arith.constant 0 : index
    %swap3A_11 = arith.constant 0 : index
    %swap3A_12 = vector.load %arg4[%swap3A, %swap3A_11] : memref<2000x2xf32, #tpu.memory_space<vmem>>, vector<2000x2xf32>
    tpu.vector_store %arg4[%swap3A, %swap3A_11], %dot_general3A_10 {strides = array<i32>} : memref<2000x2xf32, #tpu.memory_space<vmem>>, vector<2000x2xf32>,
    return
  }
  func.func @transform_0(%arg0: i32) -> (i32, i32) {
    %c0_i32 = arith.constant 0 : i32
    %c0_i32_0 = arith.constant 0 : i32
    return %arg0, %c0_i32 : i32, i32
  }
  func.func @transform_1(%arg0: i32) -> (i32, i32) {
    %c0_i32 = arith.constant 0 : i32
    %c0_i32_0 = arith.constant 0 : i32
    %c0_i32_1 = arith.constant 0 : i32
    return %c0_i32, %c0_i32_0 : i32, i32
  }
  func.func @transform_2(%arg0: i32) -> (i32, i32) {
    %c0_i32 = arith.constant 0 : i32
    %c0_i32_0 = arith.constant 0 : i32
    %c0_i32_1 = arith.constant 0 : i32
    return %c0_i32, %c0_i32_0 : i32, i32
  }
  func.func @transform_3(%arg0: i32) -> (i32, i32) {
    %c0_i32 = arith.constant 0 : i32
    %c0_i32_0 = arith.constant 0 : i32
    return %arg0, %c0_i32 : i32, i32
  }
}

</mosaic_0001>

<sc_bundles>
// kernel: kernel.4.cloned.1.call-start
scs
__scs_entry_jumppad:
0x0: {  	(pc) =	sbr.rel $0x88, $3  }
0x1: {  	(tag) =	ssettag $0x0;
	lr =	simm.s32 $0x1  }
0x2: {  	[smem:$0x3F9B] =	sst lr;
	_ =	strace $0xD0000000  }
0x3: {  	_ = 	snop  }
0x4: {  	_ = 	snop  }
0x5: {  	_ = 	snop  }
0x6: {  	_ = 	snop  }
0x7: {  	_ = 	snop  }
__scs_overlays_trampoline_lowered:
0x8: {  	[smem:$0x3FAA] =	sst s0  }
0x9: {  	[smem:$0x3FAB] =	sst s1  }
0xa: {  	[smem:$0x3FAC] =	sst s2  }
0xb: {  	[smem:$0x3FAD] =	sst s3  }
0xc: {  	[smem:$0x3FAE] =	sst s4  }
0xd: {  	[smem:$0x3FAF] =	sst s5  }
0xe: {  	[smem:$0x3FB0] =	sst s6  }
0xf: {  	[smem:$0x3FB1] =	sst s7  }
0x10: {  	[smem:$0x3FB2] =	sst s8  }
0x11: {  	[smem:$0x3FB3] =	sst s9;
	s0 =	simm.s32 @!p0 $0x0  }
0x12: {  	s1 =	sld [smem:$0x3F99];
	s0 =	simm.s32 @p0 $0x1  }
0x13: {  	[smem:$0x3FB4] =	sst s0;
	s0 =	simm.s32 @!p1 $0x0  }
0x14: {  	s2 =	sld [smem:$0x3F98];
	s0 =	simm.s32 @p1 $0x1  }
0x15: {  	[smem:$0x3FB5] =	sst s0;
	s0 =	simm.s32 @!p2 $0x0  }
0x16: {  	s3 =	sld [smem:$0x3FDB];
	s0 =	simm.s32 @p2 $0x1  }
0x17: {  	s4 =	simm.s32 $0x1BF5;
	[smem:$0x3FB7] =	sst s0  }
0x18: {  	s0 =	sld [smem:$0x3F9A];
	_ =	swait.ge [sflag:s4], $0x0  }
0x19: {  	s7 =	sld [smem:$0x3F9B]  }
0x1a: {  	s8 =	sadd.s32 $0xFFFFE003, lr  }
0x1b: {  	s9 =	sadd.s32 $0xFFFFFEF7, lr;
	s5 =	simm.s32 $0xFFFFFFFF;
	p2 =	slt.u32 s8, $0xFFFFF086  }
0x1c: {  	p1 =	slt.u32 s9, $0xF7A;
	s5 =	simm.s32 @!p2 $0x0  }
0x1d: {  	s5 =	simm.s32 @p1 $0x1;
	p0 =	seq.s32 s7, s2  }
0x1e: {  	s7 =	smul.u32 @!p0 $0xF7A, s2;
	p2 =	seq.s32 @!p0 s5, $0x0  }
0x1f: {  	s9 =	smul.u32 $0xF7A, s1;
	s8 =	simm.s32 @!p0 $0x1BF5;
	p2 =	por !p2, p0  }
0x20: {  	[sflag:s8] =	ssyncset.s32 @!p0 $0xFFFFF086;
	s6 =	sadd.s32 @!p0 s3, s7;
	s7 =	simm.s32 @!p0 $0x108  }
0x21: {  	s3 =	sadd.s32 s3, s9;
	s6 =	sadd.s32 @!p0 $0x88, s6;
	s7 =	simm.s32 @p2 $0x1082  }
0x22: {  	[simem:s7], [sflag:s8] =	dma.local @!p0 [hbm:s6], $0xF7A  }
0x23: {  	s9 =	sor.u32 $0xD0000000, s2;
	s6 =	simm.s32 $0x108;
	_ =	swait.ge @!p0 [sflag:s8], $0x0  }
0x24: {  	s3 =	sadd.s32 $0x88, s3;
	s6 =	simm.s32 @!p1 $0x1082;
	[sflag:s4] =	ssyncset.s32 $0xFFFFF086  }
0x25: {  	[simem:s6], [sflag:s4] =	dma.local [hbm:s3], $0xF7A  }
0x26: {  	[smem:$0x3F9B] =	sst s1;
	(tag) =	ssettag s2;
	_ =	strace s9  }
0x27: {  	s1 =	sld [smem:$0x3FAB]  }
0x28: {  	s2 =	sld [smem:$0x3FAC]  }
0x29: {  	s4 =	sld [smem:$0x3FAE]  }
0x2a: {  	p0 =	seq.s32 s5, $0x0;
	s5 =	sld [smem:$0x3FAF]  }
0x2b: {  	s6 =	sld [smem:$0x3FB0]  }
0x2c: {  	s7 =	sld [smem:$0x3FB1]  }
0x2d: {  	s3 =	simm.s32 $0x108;
	s8 =	sld [smem:$0x3FB2]  }
0x2e: {  	s3 =	simm.s32 @!p0 $0x1082;
	s9 =	sld [smem:$0x3FB3]  }
0x2f: {  	lr =	sadd.s32 s0, s3;
	s0 =	sld [smem:$0x3FAA]  }
0x30: {  	s3 =	sld [smem:$0x3FAD]  }
0x31: {  	[smem:$0x3FB6] =	sst s10  }
0x32: {  	s10 =	sld [smem:$0x3FB4];
	_ =	sdelay $0x3  }
0x33: {  	p0 =	seq.s32 s10, $0x1;
	s10 =	sld [smem:$0x3FB6];
	_ =	sdelay $0x3  }
0x34: {  	[smem:$0x3FB6] =	sst s10  }
0x35: {  	s10 =	sld [smem:$0x3FB5];
	_ =	sdelay $0x3  }
0x36: {  	p1 =	seq.s32 s10, $0x1;
	s10 =	sld [smem:$0x3FB6];
	_ =	sdelay $0x3  }
0x37: {  	[smem:$0x3FB6] =	sst s10  }
0x38: {  	s10 =	sld [smem:$0x3FB7]  }
0x39: {  	_ = 	snop;
	(pc) =	sbr.ind lr, $3  }
0x3a: {  	_ = 	snop  }
0x3b: {  	_ = 	snop  }
0x3c: {  	p2 =	seq.s32 s10, $0x1;
	s10 =	sld [smem:$0x3FB6]  }
0x3d: {  	_ =	shalt  }
0x3e: {  	_ =	shalt  }
0x3f: {  	_ =	shalt  }
0x40: {  	_ =	shalt  }
0x41: {  	_ =	shalt  }
0x42: {  	_ =	shalt  }
0x43: {  	_ =	shalt  }
0x44: {  	_ =	shalt  }
0x45: {  	_ =	shalt  }
0x46: {  	_ =	shalt  }
0x47: {  	_ =	shalt  }
0x48: {  	_ =	shalt  }
0x49: {  	_ =	shalt  }
0x4a: {  	_ =	shalt  }
0x4b: {  	_ =	shalt  }
0x4c: {  	_ =	shalt  }
0x4d: {  	_ =	shalt  }
0x4e: {  	_ =	shalt  }
0x4f: {  	_ =	shalt  }
0x50: {  	_ =	shalt  }
0x51: {  	_ =	shalt  }
0x52: {  	_ =	shalt  }
0x53: {  	_ =	shalt  }
0x54: {  	_ =	shalt  }
0x55: {  	_ =	shalt  }
0x56: {  	_ =	shalt  }
0x57: {  	_ =	shalt  }
0x58: {  	_ =	shalt  }
0x59: {  	_ =	shalt  }
0x5a: {  	_ =	shalt  }
0x5b: {  	_ =	shalt  }
0x5c: {  	_ =	shalt  }
0x5d: {  	_ =	shalt  }
0x5e: {  	_ =	shalt  }
0x5f: {  	_ =	shalt  }
0x60: {  	_ =	shalt  }
0x61: {  	_ =	shalt  }
0x62: {  	_ =	shalt  }
0x63: {  	_ =	shalt  }
0x64: {  	_ =	shalt  }
0x65: {  	_ =	shalt  }
0x66: {  	_ =	shalt  }
0x67: {  	_ =	shalt  }
0x68: {  	_ =	shalt  }
0x69: {  	_ =	shalt  }
0x6a: {  	_ =	shalt  }
0x6b: {  	_ =	shalt  }
0x6c: {  	_ =	shalt  }
0x6d: {  	_ =	shalt  }
0x6e: {  	_ =	shalt  }
0x6f: {  	_ =	shalt  }
0x70: {  	_ =	shalt  }
0x71: {  	_ =	shalt  }
0x72: {  	_ =	shalt  }
0x73: {  	_ =	shalt  }
0x74: {  	_ =	shalt  }
0x75: {  	_ =	shalt  }
0x76: {  	_ =	shalt  }
0x77: {  	_ =	shalt  }
0x78: {  	_ =	shalt  }
0x79: {  	_ =	shalt  }
0x7a: {  	_ =	shalt  }
0x7b: {  	_ =	shalt  }
0x7c: {  	_ =	shalt  }
0x7d: {  	_ =	shalt  }
0x7e: {  	_ =	shalt  }
0x7f: {  	_ =	shalt  }
0x80: {  	_ =	shalt  }
0x81: {  	_ =	shalt  }
0x82: {  	_ =	shalt  }
0x83: {  	_ =	shalt  }
0x84: {  	_ =	shalt  }
0x85: {  	_ =	shalt  }
0x86: {  	_ =	shalt  }
0x87: {  	_ =	shalt  }
.Lfunc_end0:
.L_simem_size_0:
called_computation_lowered:
.L_overlay_start_0:
0x88: {  	s2 =	sld [smem:$0x3FD9]  }
0x89: {  	s3 =	sld [smem:$0x3FFE];
	_ =	sdelay $0x1  }
0x8a: {  	s1 =	srdreg.scid  }
0x8b: {  	s0 =	sand.u32 $0x1, s1  }
0x8c: {  	s17 =	sshll.u32 s0, $0xA;
	s2 =	sadd.s32 s3, s2  }
0x8d: {  	s2 =	sadd.s32 s2, s17  }
0x8e: {  	[smem:$0x3FC2] =	sst s2  }
0x8f: {  	_ = 	snop  }
0x90: {  	s2 =	sld [smem:$0x3FC6];
	(tm) =	ssettm $0x1  }
0x91: {  	s18 =	sld [smem:$0x3FFB];
	_ =	sdelay $0x3  }
0x92: {  	_ =	strace s18  }
0x93: {  	s3 =	sld [smem:$0x3FFC];
	_ =	sdelay $0x3  }
0x94: {  	_ =	strace s3  }
0x95: {  	s3 =	sld [smem:$0x3FFD];
	_ =	sdelay $0x3  }
0x96: {  	_ =	strace s3  }
0x97: {  	_ =	strace $0x8FFFFFFF  }
0x98: {  	s19 =	sld [smem:$0x3FDB];
	_ =	sdelay $0x1  }
0x99: {  	s4 =	simm.s32 $_scs_section_size  }
0x9a: {  	s5 =	simm.s32 $_size__tile_overlayer_lowered;
	s6 =	simm.s32 $_tile_overlayer_lowered  }
0x9b: {  	s22 =	simm.s32 $0x1BFF;
	s21 =	sshll.u32 s6, $0x1;
	s3 =	sadd.s32 s4, s19  }
0x9c: {  	s7 =	simm.s32 $0x0;
	s20 =	sshll.u32 s5, $0x1;
	s5 =	sadd.s32 s21, s3  }
0x9d: {  	[timem:s7], [sflag:s22] =	dma.local [hbm:s5], s20  }
0x9e: {  	_ =	swait.ge [sflag:s22], s20  }
0x9f: {  	s4 =	ssub.s32 $0x0, s20;
	[sflag:s22] =	ssyncset.done $0x0  }
0xa0: {  	[sflag:s22] =	ssyncadd.s32 s4;
	_ =	sdelay $0x1  }
0xa1: {  	s23 =	simm.s32 $0x1B8B  }
0xa2: {  	_ =	swait.ge [sflag:s23], $0x1  }
0xa3: {  	[sflag:s23] =	ssyncset.done $0x0  }
0xa4: {  	s25 =	simm.s32 $0x1B8E;
	s24 =	sld [smem:$0x3FFE];
	[sflag:s23] =	ssyncadd.s32 $0xFFFFFFFF  }
0xa5: {  	s26 =	simm.s32 $execute0_lowered;
	[smem:$0x3FD2] =	sst s25  }
0xa6: {  	s5 =	sshll.u32 s26, $0x1;
	_ =	strace $0x80000046;
	[dreg:$0x1] =	wrdreg $0xFFFFFFFF  }
0xa7: {  	s28 =	simm.s32 $_size_execute0_lowered;
	s3 =	sadd.s32 s3, s5;
	[dreg:$0x0] =	wrdreg $0x0  }
0xa8: {  	s5 =	sshll.u32 s28, $0x1;
	[dreg:$0x2] =	wrdreg s3  }
0xa9: {  	[dreg:$0x3] =	wrdreg s5  }
0xaa: {  	[dreg:$0x4] =	wrdreg $0xC0  }
0xab: {  	_ =	task [dreg:s7], $0x5FFFF  }
0xac: {  	[dreg:$0x1] =	wrdreg $0xFFFFFFFF  }
0xad: {  	[dreg:$0x0] =	wrdreg $0x60  }
0xae: {  	[dreg:$0x2] =	wrdreg s24  }
0xaf: {  	[dreg:$0x3] =	wrdreg s2  }
0xb0: {  	[dreg:$0x4] =	wrdreg $0x19C800  }
0xb1: {  	[dreg:$0x5] =	wrdreg $0x19A000  }
0xb2: {  	[dreg:$0x6] =	wrdreg $0x9  }
0xb3: {  	_ =	task.clear_ibuf [dreg:s7], $0x7FFFF;
	_ =	strace $0x90000046  }
0xb4: {  	s29 =	simm.s32 $0x9;
	_ =	strace $0x80000048  }
0xb5: {  	_ =	swait.ge [sflag:s29], $0x1  }
0xb6: {  	[sflag:s29] =	ssyncadd.s32 $0xFFFFFFFF  }
0xb7: {  	_ =	strace $0x90000048  }
0xb8: {  	_ =	sfence  }
0xb9: {  	s30 =	sld [smem:$0x0];
	_ =	sdelay $0x2  }
0xba: {  	s31 =	sshll.u32 s1, $0xD;
	s1 =	sshrl.u32 s1, $0x2  }
0xbb: {  	s3 =	sand.u32 $0x4000, s31;
	s1 =	sadd.s32 s1, s30  }
0xbc: {  	s0 =	sor.u32 s3, s0;
	s1 =	sshll.u32 s1, $0x11  }
0xbd: {  	s0 =	sor.u32 s1, s0  }
0xbe: {  	s0 =	sadd.s32 $0x8F2B, s0  }
0xbf: {  	[sflag:s0] =	ssyncadd.remote.s32 $0x1  }
0xc0: {  	_ =	sfence.sel $0xFFFF  }
0xc1: {  	[dreg:$0x0] =	wrdreg $0xFFFFFFFF;
	(pc) =	sbr.abs _section_cstart, $3  }
0xc2: {  	[dreg:$0x1] =	wrdreg $0xFFFFFFFF  }
0xc3: {  	_ =	task.clear_ibuf [dreg:s7], $0x2FFFF;
	_ =	strace $0x9FFFFFFF  }
0xc4: {  	(tm) =	ssettm $0x7FFFFFFF  }
0xc5: {  	_ =	shalt  }
tec
execute0_lowered:
.L_overlay_start_1:
0x0: {  	(tag) =	ssettag $0x1  }
0x1: {  	s0 =	rddreg [dreg:$0x0]  }
0x2: {  	s1 =	rddreg [dreg:$0x2]  }
0x3: {  	s14 =	rddreg [dreg:$0x3];
	s16 =	stileid.u32  }
0x4: {  	s4 =	simm.s32 $0x0;
	s3 =	srdreg.scid;
	s28 =	simm.s32 $0x11800  }
0x5: {  	s29 =	simm.s32 $0x2;
	s31 =	simm.s32 $0x1;
	s30 =	simm.s32 $0x19000  }
0x6: {  	s2 =	smul.u32 $0xA00, s16;
	[smem:$0x7FF] =	sst s4;
	s3 =	sand.u32 $0x1, s3  }
0x7: {  	s6 =	sadd.s32 $0x600, s0;
	s8 =	sadd.s32 $0x15800, s0;
	s13 =	sadd.s32 $0x400, s0  }
0x8: {  	s9 =	sadd.s32 $0x15000, s0;
	s10 =	sshrl.u32 s16, $0x3;
	s22 =	smul.u32 $0x500, s16  }
0x9: {  	s25 =	smul.u32 $0x140, s16;
	_ =	strace $0x80000047;
	[dreg:$0x5] =	wrdreg s6  }
0xa: {  	s19 =	sshll.u32 s16, $0x7;
	[dreg:$0x6] =	wrdreg s8;
	s10 =	smul.u32 $0xA0000, s10  }
0xb: {  	s7 =	sshll.u32 s3, $0x4;
	[dreg:$0x7] =	wrdreg s13;
	s13 =	smul.u32 $0x5000, s16  }
0xc: {  	s6 =	sadd.s32 $0x15200, s0;
	[dreg:$0x8] =	wrdreg s9;
	s21 =	smul.u32 $0x5000, s3  }
0xd: {  	s17 =	ssub.s32 $0x2, s3;
	s3 =	smul.u32 $0x1400, s3;
	s5 =	sadd.s32 s2, s0  }
0xe: {  	s7 =	sor.u32 s16, s7;
	s11 =	sshrl.u32 s17, $0x1;
	s2 =	sshrl.u32 s2, $0x2  }
0xf: {  	s15 =	smul.u32 $0x50, s7;
	s9 =	ssub.s32 s17, s11;
	s18 =	sadd.s32 $0x1000, s5  }
0x10: {  	s5 =	sadd.s32 $0xB000, s5;
	s10 =	sshrl.u32 s10, $0x2;
	s20 =	sshrl.u32 s13, $0x2  }
0x11: {  	s14 =	sadd.s32 s2, s14;
	s24 =	sadd.s32 s22, s21;
	s17 =	sadd.s32 $0x163B0, s0  }
0x12: {  	s22 =	simm.s32 $0xA000;
	p0 =	seq.s32 s7, $0x1F;
	[dreg:$0x9] =	wrdreg s18  }
0x13: {  	v0 =	vlaneseq.u32;
	s2 =	simm.s32 $0x1400;
	s21 =	simm.s32 $0x16800;
	[dreg:$0xa] =	wrdreg s5  }
0x14: {  	v0 =	vmul.u32 $0x2, v0;
	s5 =	sand.u32 $0x380, s19;
	s10 =	sadd.s32 s10, s1;
	s13 =	sadd.s32 s20, s1  }
0x15: {  	v1 =	vimm.f32 $1.000000000e+00;
	v17 =	vimm.s32 $0x1;
	s26 =	sshrl.u32 s24, $0x2;
	s18 =	smax.u32 s9, $0x1;
	s20 =	sadd.s32 s25, s3  }
0x16: {  	v2 =	vor.u32 $0x20, v0;
	v3 =	vor.u32 $0x40, v0;
	v4 =	vor.u32 $0x60, v0;
	s25 =	simm.s32 $0x19880;
	s3 =	simm.s32 $0x28000;
	s24 =	simm.s32 $0xF000  }
0x17: {  	v5 =	vor.u32 $0x80, v0;
	v6 =	vor.u32 $0xA0, v0;
	v7 =	vor.u32 $0xC0, v0;
	s8 =	sadd.s32 s15, s0;
	s15 =	smul.u32 $0x5000, s7;
	s12 =	sadd.s32 s5, s10  }
0x18: {  	v8 =	vor.u32 $0xE0, v0;
	v9 =	vor.u32 $0x1, v0;
	v10 =	vor.u32 $0x21, v0;
	s19 =	sadd.s32 $0xF000, s26;
	s26 =	simm.s32 $0x19980;
	s0 =	simm.s32 $0x80  }
0x19: {  	v11 =	vor.u32 $0x41, v0;
	v12 =	vor.u32 $0x61, v0;
	v13 =	vor.u32 $0x81, v0;
	s5 =	simm.s32 $0x0;
	s16 =	sadd.s32 $0x15A00, s8;
	s23 =	sshrl.u32 s15, $0x2  }
0x1a: {  	v14 =	vor.u32 $0xA1, v0;
	v15 =	vor.u32 $0xC1, v0;
	v16 =	vor.u32 $0xE1, v0;
	s15 =	sadd.s32 s23, s1;
	s1 =	simm.s32 $0x400;
	s23 =	simm.s32 $0x19500  }
.LBB2_1:
0x1b: {  	s7 =	rddreg [dreg:$0x9]  }
0x1c: {  	[tilespmem:s4], [sflag:$0x1] =	stream.linear.gather [hbm4b:s7+s4], $0x4F00, $0x38;
	[tilespmem:$0x1EC80] =	vst v63  }
0x1d: {  	s10 =	rddreg [dreg:$0xa];
	s8 =	simm.s32 $0x5000  }
0x1e: {  	[tilespmem:s8], [sflag:$0x1] =	stream.linear.gather [hbm4b:s10+s4], $0x4F00, $0x38;
	[tilespmem:$0x1EC80] =	vst v63  }
0x1f: {  	s11 =	rddreg [dreg:$0x5]  }
0x20: {  	[tilespmem:s22], [sflag:$0x1] =	stream.linear.gather [hbm4b:s11+s4], $0x4E20, $0x38;
	[tilespmem:$0x1EC80] =	vst v63  }
0x21: {  	s9 =	simm.s32 $0x19780;
	s8 =	rddreg [dreg:$0x6]  }
0x22: {  	[tilespmem:s9], [sflag:$0x1] =	stream.linear.gather [hbm4b:s8+s4], $0x80, $0x38;
	[tilespmem:$0x1EC80] =	vst v63  }
0x23: {  	s10 =	rddreg [dreg:$0x1];
	s11 =	simm.s32 $0x19800  }
0x24: {  	[tilespmem:s11], [sflag:$0x1] =	stream.linear.gather [hbm4b:s10+s4], $0x80, $0x38;
	[tilespmem:$0x1EC80] =	vst v63  }
0x25: {  	s9 =	rddreg [dreg:$0x7]  }
0x26: {  	[tilespmem:s25], [sflag:$0x1] =	stream.linear.gather [hbm4b:s9+s4], $0x100, $0x38;
	[tilespmem:$0x1EC80] =	vst v63  }
0x27: {  	s10 =	rddreg [dreg:$0x8]  }
0x28: {  	[tilespmem:s26], [sflag:$0x1] =	stream.linear.gather [hbm4b:s10+s4], $0x80, $0x38;
	[tilespmem:$0x1EC80] =	vst v63  }
0x29: {  	_ = 	snop  }
0x2a: {  	[tilespmem:s28], [sflag:$0x2] =	stream.linear.gather [hbm4b:s6+s4], $0x2800, $0x38;
	[tilespmem:$0x1EC80] =	vst v63  }
0x2b: {  	_ =	swait.ge [sflag:s29], $0x2800  }
0x2c: {  	[sflag:s29] =	ssyncset.done $0x0  }
0x2d: {  	s11 =	simm.s32 $0x14000;
	[sflag:s29] =	ssyncadd.s32 $0xFFFFD800  }
0x2e: {  	[tilespmem:s11], [sflag:$0x2] =	stream.linear.gather [hbm4b:s6+s4], $0x2800, $0x38;
	[tilespmem:$0x1EC80] =	vst v63  }
0x2f: {  	_ =	swait.ge [sflag:s29], $0x2800  }
0x30: {  	[sflag:s29] =	ssyncset.done $0x0  }
0x31: {  	[sflag:s29] =	ssyncadd.s32 $0xFFFFD800  }
0x32: {  	_ =	swait.ge [sflag:s31], $0x4F00  }
0x33: {  	[sflag:s31] =	ssyncset.done $0x0  }
0x34: {  	[sflag:s31] =	ssyncadd.s32 $0xFFFFB100  }
0x35: {  	_ =	swait.ge [sflag:s31], $0x4F00  }
0x36: {  	[sflag:s31] =	ssyncset.done $0x0  }
0x37: {  	[sflag:s31] =	ssyncadd.s32 $0xFFFFB100  }
0x38: {  	_ =	swait.ge [sflag:s31], $0x4E20  }
0x39: {  	[sflag:s31] =	ssyncset.done $0x0  }
0x3a: {  	[sflag:s31] =	ssyncadd.s32 $0xFFFFB1E0  }
0x3b: {  	_ =	swait.ge [sflag:s31], $0x80  }
0x3c: {  	[sflag:s31] =	ssyncset.done $0x0  }
0x3d: {  	[sflag:s31] =	ssyncadd.s32 $0xFFFFFF80  }
0x3e: {  	_ =	swait.ge [sflag:s31], $0x80  }
0x3f: {  	[sflag:s31] =	ssyncset.done $0x0  }
0x40: {  	[sflag:s31] =	ssyncadd.s32 $0xFFFFFF80  }
0x41: {  	_ =	swait.ge [sflag:s31], $0x100  }
0x42: {  	[sflag:s31] =	ssyncset.done $0x0  }
0x43: {  	[sflag:s31] =	ssyncadd.s32 $0xFFFFFF00  }
0x44: {  	_ =	swait.ge [sflag:s31], $0x80  }
0x45: {  	[sflag:s31] =	ssyncset.done $0x0  }
0x46: {  	s7 =	simm.s32 $0x0;
	[sflag:s31] =	ssyncadd.s32 $0xFFFFFF80  }
.LBB2_2:
0x47: {  	s8 =	sshra.s32 s7, $0x2  }
0x48: {  	v18 =	vld [tilespmem:s8+$0x5000];
	_ =	sdelay $0x7  }
0x49: {  	[tilespmem:v18+s28+$0x0] =	vst.idx.add.f32.msk $0xffff, v1  }
0x4a: {  	v18 =	vld [tilespmem:s8+$0x5010];
	_ =	sdelay $0x7  }
0x4b: {  	[tilespmem:v18+s28+$0x0] =	vst.idx.add.f32.msk $0xffff, v1  }
0x4c: {  	v18 =	vld [tilespmem:s8+$0x5020];
	_ =	sdelay $0x7  }
0x4d: {  	[tilespmem:v18+s28+$0x0] =	vst.idx.add.f32.msk $0xffff, v1  }
0x4e: {  	v18 =	vld [tilespmem:s8+$0x5030];
	_ =	sdelay $0x7  }
0x4f: {  	[tilespmem:v18+s28+$0x0] =	vst.idx.add.f32.msk $0xffff, v1  }
0x50: {  	v18 =	vld [tilespmem:s8+$0x5040];
	_ =	sdelay $0x7  }
0x51: {  	[tilespmem:v18+s28+$0x0] =	vst.idx.add.f32.msk $0xffff, v1  }
0x52: {  	v18 =	vld [tilespmem:s8+$0x5050];
	_ =	sdelay $0x7  }
0x53: {  	[tilespmem:v18+s28+$0x0] =	vst.idx.add.f32.msk $0xffff, v1  }
0x54: {  	v18 =	vld [tilespmem:s8+$0x5060];
	_ =	sdelay $0x7  }
0x55: {  	[tilespmem:v18+s28+$0x0] =	vst.idx.add.f32.msk $0xffff, v1  }
0x56: {  	v18 =	vld [tilespmem:s8+$0x5070];
	_ =	sdelay $0x2  }
0x57: {  	p1 =	sne.s32 s7, $0x13A00  }
.Ltmp0:
0x58: {  	_ = 	snop;
	(pc) =	sbr.rel @p1 .LBB2_2-.Ltmp0, $2  }
0x59: {  	_ =	sdelay $0x2  }
0x5a: {  	s7 =	sadd.s32 $0x200, s7;
	[tilespmem:v18+s28+$0x0] =	vst.idx.add.f32.msk $0xffff, v1  }
0x5b: {  	[spmem:s12] =	stream.strided.scatter [tilespmem:s28], [sflag:$0x2], $0x2800, s1, s0, $0x38;
	[tilespmem:$0x1EC80] =	vst v63  }
0x5c: {  	_ =	swait.ge [sflag:s29], $0x2800  }
0x5d: {  	[sflag:s29] =	ssyncset.done $0x0  }
0x5e: {  	[sflag:s29] =	ssyncadd.s32 $0xFFFFD800  }
0x5f: {  	s7 =	simm.s32 $0x0;
	[bflag:$0x0] =	sbarrier.arrive $0xFFFF  }
0x60: {  	[tilespmem:s21], [sflag:$0x2] =	stream.strided.gather [spmem:s13], $0x2800, s3, s2, $0x38;
	[tilespmem:$0x1EC80] =	vst v63  }
0x61: {  	s8 =	sand.u32 $0x70, s7;
	s7 =	sand.u32 $0x1C00, s7;
	_ =	swait.ge [sflag:s29], $0x2800  }
0x62: {  	s7 =	sor.u32 s8, s7;
	[sflag:s29] =	ssyncset.done $0x0  }
0x63: {  	s8 =	sadd.s32 $0x16800, s7;
	[sflag:s29] =	ssyncadd.s32 $0xFFFFD800  }
0x64: {  	v18 =	vld [tilespmem:s8+$0x80]  }
0x65: {  	v19 =	vld [tilespmem:s7+$0x16800];
	_ =	sdelay $0x1  }
0x66: {  	v20 =	vld [tilespmem:s8+$0x100];
	_ =	sdelay $0x1  }
0x67: {  	v21 =	vld [tilespmem:s8+$0x180]  }
0x68: {  	v18 =	vadd.f32 v18, v19  }
0x69: {  	v19 =	vld [tilespmem:s8+$0x200]  }
0x6a: {  	v18 =	vadd.f32 v20, v18  }
0x6b: {  	v20 =	vld [tilespmem:s8+$0x280]  }
0x6c: {  	v18 =	vadd.f32 v21, v18  }
0x6d: {  	v60 =	vld [tilespmem:s8+$0x300]  }
0x6e: {  	v18 =	vadd.f32 v19, v18  }
0x6f: {  	v19 =	vld [tilespmem:s8+$0x380]  }
0x70: {  	v18 =	vadd.f32 v20, v18  }
0x71: {  	v20 =	vld [tilespmem:s7+$0x17C00]  }
0x72: {  	v18 =	vadd.f32 v60, v18  }
0x73: {  	v61 =	vld [tilespmem:s7+$0x17C80]  }
0x74: {  	v18 =	vadd.f32 v19, v18  }
0x75: {  	v19 =	vld [tilespmem:s7+$0x17D00]  }
0x76: {  	v18 =	vadd.f32 v20, v18  }
0x77: {  	v20 =	vld [tilespmem:s7+$0x17D80]  }
0x78: {  	v18 =	vadd.f32 v61, v18  }
0x79: {  	v62 =	vld [tilespmem:s7+$0x17E00]  }
0x7a: {  	v18 =	vadd.f32 v19, v18  }
0x7b: {  	v19 =	vld [tilespmem:s7+$0x17E80]  }
0x7c: {  	v18 =	vadd.f32 v20, v18  }
0x7d: {  	v20 =	vld [tilespmem:s7+$0x17F00]  }
0x7e: {  	v18 =	vadd.f32 v62, v18  }
0x7f: {  	v63 =	vld [tilespmem:s7+$0x17F80]  }
0x80: {  	v18 =	vadd.f32 v19, v18;
	_ =	sdelay $0x1  }
0x81: {  	v18 =	vadd.f32 v20, v18;
	_ =	sdelay $0x1  }
0x82: {  	v18 =	vadd.f32 v63, v18;
	_ =	sdelay $0x1  }
0x83: {  	v18 =	vadd.f32 $1.000000000e+00, v18;
	_ =	sdelay $0x1  }
0x84: {  	v19 =	vshrl.u32 v18, $0x1;
	v18 =	vmul.f32 $5.000000000e-01, v18  }
0x85: {  	v19 =	vsub.s32 $0x5F3759DF, v19  }
0x86: {  	v20 =	vmul.f32 v19, v18;
	_ =	sdelay $0x1  }
0x87: {  	v20 =	vmul.f32 v19, v20;
	_ =	sdelay $0x1  }
0x88: {  	v20 =	vsub.f32 $1.500000000e+00, v20;
	_ =	sdelay $0x1  }
0x89: {  	v19 =	vmul.f32 v19, v20;
	_ =	sdelay $0x1  }
0x8a: {  	v20 =	vmul.f32 v19, v18;
	_ =	sdelay $0x1  }
0x8b: {  	v20 =	vmul.f32 v20, v19;
	_ =	sdelay $0x1  }
0x8c: {  	v20 =	vsub.f32 $1.500000000e+00, v20;
	_ =	sdelay $0x1  }
0x8d: {  	v19 =	vmul.f32 v20, v19;
	_ =	sdelay $0x1  }
0x8e: {  	v18 =	vmul.f32 v19, v18;
	_ =	sdelay $0x1  }
0x8f: {  	v18 =	vmul.f32 v18, v19;
	_ =	sdelay $0x1  }
0x90: {  	v18 =	vsub.f32 $1.500000000e+00, v18  }
0x91: {  	s11 =	simm.s32 $0x10;
	s8 =	simm.s32 $0x80  }
0x92: {  	s9 =	sand.u32 $0x70, s11;
	s10 =	sand.u32 $0x1C00, s8;
	v18 =	vmul.f32 v18, v19  }
0x93: {  	s10 =	sor.u32 s9, s10;
	s9 =	simm.s32 $0x20;
	s7 =	simm.s32 $0x19280  }
.LBB2_4:
0x94: {  	p1 =	sne.s32 s9, $0x270;
	s11 =	sadd.s32 $0x16800, s10;
	[tilespmem:s7+$0x0] =	vst v18  }
0x95: {  	v18 =	vld [tilespmem:s11+$0x80]  }
0x96: {  	v19 =	vld [tilespmem:s10+$0x16800];
	_ =	sdelay $0x1  }
0x97: {  	v20 =	vld [tilespmem:s11+$0x100];
	_ =	sdelay $0x1  }
0x98: {  	v21 =	vld [tilespmem:s11+$0x180]  }
0x99: {  	v18 =	vadd.f32 v18, v19  }
0x9a: {  	v19 =	vld [tilespmem:s11+$0x200]  }
0x9b: {  	v18 =	vadd.f32 v20, v18  }
0x9c: {  	v20 =	vld [tilespmem:s11+$0x280]  }
0x9d: {  	v18 =	vadd.f32 v21, v18  }
0x9e: {  	v21 =	vld [tilespmem:s11+$0x300]  }
0x9f: {  	v18 =	vadd.f32 v19, v18  }
0xa0: {  	v19 =	vld [tilespmem:s11+$0x380]  }
0xa1: {  	v18 =	vadd.f32 v20, v18  }
0xa2: {  	v20 =	vld [tilespmem:s10+$0x17C00]  }
0xa3: {  	v18 =	vadd.f32 v21, v18  }
0xa4: {  	v21 =	vld [tilespmem:s10+$0x17C80]  }
0xa5: {  	v18 =	vadd.f32 v19, v18  }
0xa6: {  	v19 =	vld [tilespmem:s10+$0x17D00]  }
0xa7: {  	v18 =	vadd.f32 v20, v18  }
0xa8: {  	v20 =	vld [tilespmem:s10+$0x17D80]  }
0xa9: {  	v18 =	vadd.f32 v21, v18  }
0xaa: {  	v21 =	vld [tilespmem:s10+$0x17E00]  }
0xab: {  	v18 =	vadd.f32 v19, v18  }
0xac: {  	v19 =	vld [tilespmem:s10+$0x17E80]  }
0xad: {  	v18 =	vadd.f32 v20, v18  }
0xae: {  	v20 =	vld [tilespmem:s10+$0x17F00]  }
0xaf: {  	v18 =	vadd.f32 v21, v18  }
0xb0: {  	v21 =	vld [tilespmem:s10+$0x17F80]  }
0xb1: {  	v18 =	vadd.f32 v19, v18;
	_ =	sdelay $0x1  }
0xb2: {  	v18 =	vadd.f32 v20, v18;
	_ =	sdelay $0x1  }
0xb3: {  	v18 =	vadd.f32 v21, v18;
	_ =	sdelay $0x1  }
0xb4: {  	v18 =	vadd.f32 $1.000000000e+00, v18;
	_ =	sdelay $0x1  }
0xb5: {  	v19 =	vshrl.u32 v18, $0x1;
	v18 =	vmul.f32 $5.000000000e-01, v18  }
0xb6: {  	v19 =	vsub.s32 $0x5F3759DF, v19  }
0xb7: {  	v20 =	vmul.f32 v19, v18;
	_ =	sdelay $0x1  }
0xb8: {  	v20 =	vmul.f32 v19, v20;
	_ =	sdelay $0x1  }
0xb9: {  	v20 =	vsub.f32 $1.500000000e+00, v20;
	_ =	sdelay $0x1  }
0xba: {  	v19 =	vmul.f32 v19, v20;
	_ =	sdelay $0x1  }
0xbb: {  	v20 =	vmul.f32 v19, v18;
	_ =	sdelay $0x1  }
0xbc: {  	v20 =	vmul.f32 v20, v19;
	_ =	sdelay $0x1  }
0xbd: {  	v20 =	vsub.f32 $1.500000000e+00, v20;
	_ =	sdelay $0x1  }
0xbe: {  	v19 =	vmul.f32 v20, v19;
	_ =	sdelay $0x1  }
0xbf: {  	v18 =	vmul.f32 v19, v18;
	_ =	sdelay $0x1  }
0xc0: {  	v18 =	vmul.f32 v18, v19  }
.Ltmp1:
0xc1: {  	(pc) =	sbr.rel @p1 .LBB2_4-.Ltmp1, $4  }
0xc2: {  	v18 =	vsub.f32 $1.500000000e+00, v18  }
0xc3: {  	s8 =	sadd.s32 $0x80, s8  }
0xc4: {  	s11 =	sand.u32 $0x1C00, s8;
	s10 =	sand.u32 $0x70, s9;
	v18 =	vmul.f32 v18, v19  }
0xc5: {  	s7 =	sadd.s32 $0x10, s7;
	s9 =	sadd.s32 $0x10, s9;
	s10 =	sor.u32 s10, s11  }
0xc6: {  	s8 =	sadd.s32 $0x16800, s10;
	[tilespmem:s7+$0x0] =	vst v18  }
0xc7: {  	v18 =	vld [tilespmem:s8+$0x80]  }
0xc8: {  	v19 =	vld [tilespmem:s10+$0x16800];
	_ =	sdelay $0x1  }
0xc9: {  	v20 =	vld [tilespmem:s8+$0x100];
	_ =	sdelay $0x1  }
0xca: {  	v21 =	vld [tilespmem:s8+$0x180]  }
0xcb: {  	v18 =	vadd.f32 v18, v19  }
0xcc: {  	v19 =	vld [tilespmem:s8+$0x200]  }
0xcd: {  	v18 =	vadd.f32 v20, v18  }
0xce: {  	v55 =	vld [tilespmem:s8+$0x280]  }
0xcf: {  	v18 =	vadd.f32 v21, v18  }
0xd0: {  	v56 =	vld [tilespmem:s8+$0x300]  }
0xd1: {  	v18 =	vadd.f32 v19, v18  }
0xd2: {  	v19 =	vld [tilespmem:s8+$0x380]  }
0xd3: {  	v18 =	vadd.f32 v55, v18  }
0xd4: {  	v57 =	vld [tilespmem:s10+$0x17C00]  }
0xd5: {  	v18 =	vadd.f32 v56, v18  }
0xd6: {  	v58 =	vld [tilespmem:s10+$0x17C80]  }
0xd7: {  	v18 =	vadd.f32 v19, v18  }
0xd8: {  	v19 =	vld [tilespmem:s10+$0x17D00]  }
0xd9: {  	v18 =	vadd.f32 v57, v18  }
0xda: {  	v59 =	vld [tilespmem:s10+$0x17D80]  }
0xdb: {  	v18 =	vadd.f32 v58, v18  }
0xdc: {  	v60 =	vld [tilespmem:s10+$0x17E00]  }
0xdd: {  	v18 =	vadd.f32 v19, v18  }
0xde: {  	v19 =	vld [tilespmem:s10+$0x17E80]  }
0xdf: {  	v18 =	vadd.f32 v59, v18  }
0xe0: {  	v61 =	vld [tilespmem:s10+$0x17F00]  }
0xe1: {  	v18 =	vadd.f32 v60, v18  }
0xe2: {  	v62 =	vld [tilespmem:s10+$0x17F80]  }
0xe3: {  	v18 =	vadd.f32 v19, v18;
	_ =	sdelay $0x1  }
0xe4: {  	v18 =	vadd.f32 v61, v18;
	_ =	sdelay $0x1  }
0xe5: {  	v18 =	vadd.f32 v62, v18;
	_ =	sdelay $0x1  }
0xe6: {  	v18 =	vadd.f32 $1.000000000e+00, v18;
	_ =	sdelay $0x1  }
0xe7: {  	v19 =	vshrl.u32 v18, $0x1;
	v18 =	vmul.f32 $5.000000000e-01, v18  }
0xe8: {  	v19 =	vsub.s32 $0x5F3759DF, v19  }
0xe9: {  	v63 =	vmul.f32 v19, v18;
	_ =	sdelay $0x1  }
0xea: {  	v20 =	vmul.f32 v19, v63;
	_ =	sdelay $0x1  }
0xeb: {  	v20 =	vsub.f32 $1.500000000e+00, v20;
	_ =	sdelay $0x1  }
0xec: {  	v19 =	vmul.f32 v19, v20;
	_ =	sdelay $0x1  }
0xed: {  	v20 =	vmul.f32 v19, v18;
	_ =	sdelay $0x1  }
0xee: {  	v20 =	vmul.f32 v20, v19;
	_ =	sdelay $0x1  }
0xef: {  	v20 =	vsub.f32 $1.500000000e+00, v20;
	_ =	sdelay $0x1  }
0xf0: {  	v19 =	vmul.f32 v20, v19;
	_ =	sdelay $0x1  }
0xf1: {  	v18 =	vmul.f32 v19, v18;
	_ =	sdelay $0x1  }
0xf2: {  	v18 =	vmul.f32 v18, v19;
	_ =	sdelay $0x1  }
0xf3: {  	v18 =	vsub.f32 $1.500000000e+00, v18;
	_ =	sdelay $0x1  }
0xf4: {  	v18 =	vmul.f32 v18, v19  }
0xf5: {  	s9 =	sadd.s32 $0x10, s7  }
0xf6: {  	s10 =	simm.s32 $0x19280;
	[tilespmem:s9+$0x0] =	vst v18  }
0xf7: {  	[spmem:s14] =	stream.linear.scatter [tilespmem:s10], [sflag:$0x2], $0x280, $0x38;
	[tilespmem:$0x1EC80] =	vst v63  }
0xf8: {  	_ =	swait.ge [sflag:s29], $0x280  }
0xf9: {  	[sflag:s29] =	ssyncset.done $0x0  }
0xfa: {  	s7 =	simm.s32 $0x0;
	[sflag:s29] =	ssyncadd.s32 $0xFFFFFD80  }
0xfb: {  	[tilespmem:s28], [sflag:$0x2] =	stream.linear.gather [hbm4b:s6+s7], $0x2800, $0x38;
	[tilespmem:$0x1EC80] =	vst v63  }
0xfc: {  	_ =	swait.ge [sflag:s29], $0x2800  }
0xfd: {  	[sflag:s29] =	ssyncset.done $0x0  }
0xfe: {  	[sflag:s29] =	ssyncadd.s32 $0xFFFFD800  }
0xff: {  	[bflag:$0x0] =	sbarrier.arrive $0xFFFF  }
0x100: {  	s11 =	rddreg [dreg:$0x3]  }
0x101: {  	[tilespmem:s24], [sflag:$0x2] =	stream.linear.gather [spmem:s11], $0x2800, $0x38;
	[tilespmem:$0x1EC80] =	vst v63  }
0x102: {  	_ =	swait.ge [sflag:s29], $0x2800  }
0x103: {  	[sflag:s29] =	ssyncset.done $0x0  }
0x104: {  	[sflag:s29] =	ssyncadd.s32 $0xFFFFD800  }
.LBB2_6:
0x105: {  	s8 =	sshra.s32 s7, $0x2  }
0x106: {  	v18 =	vld [tilespmem:s8+$0x0];
	_ =	sdelay $0x4  }
0x107: {  	v19 =	vshll.u32 v18, $0x1  }
0x108: {  	v20 =	vor.u32 $0x1, v19  }
0x109: {  	v21 =	vld [tilespmem:s8+$0x5000];
	_ =	sdelay $0x1  }
0x10a: {  	v18 =	vld.idx.msk [tilespmem:v18+s24+$0x0], $0xffff  }
0x10b: {  	v19 =	vld.idx.msk [tilespmem:v19+s22+$0x0], $0xffff  }
0x10c: {  	v20 =	vld.idx.msk [tilespmem:v20+s22+$0x0], $0xffff  }
0x10d: {  	v21 =	vshll.u32 v21, $0x1  }
0x10e: {  	v22 =	vor.u32 $0x1, v21;
	_ =	sdelay $0x1  }
0x10f: {  	v19 =	vmul.f32 v18, v19  }
0x110: {  	v18 =	vmul.f32 v18, v20  }
0x111: {  	[tilespmem:v21+s28+$0x0] =	vst.idx.add.f32.msk $0xffff, v19  }
0x112: {  	[tilespmem:v22+s28+$0x0] =	vst.idx.add.f32.msk $0xffff, v18  }
0x113: {  	v18 =	vld [tilespmem:s8+$0x10];
	_ =	sdelay $0x4  }
0x114: {  	v19 =	vshll.u32 v18, $0x1  }
0x115: {  	v50 =	vor.u32 $0x1, v19  }
0x116: {  	v21 =	vld [tilespmem:s8+$0x5010];
	_ =	sdelay $0x1  }
0x117: {  	v18 =	vld.idx.msk [tilespmem:v18+s24+$0x0], $0xffff  }
0x118: {  	v19 =	vld.idx.msk [tilespmem:v19+s22+$0x0], $0xffff  }
0x119: {  	v20 =	vld.idx.msk [tilespmem:v50+s22+$0x0], $0xffff  }
0x11a: {  	v21 =	vshll.u32 v21, $0x1  }
0x11b: {  	v51 =	vor.u32 $0x1, v21;
	_ =	sdelay $0x1  }
0x11c: {  	v19 =	vmul.f32 v18, v19  }
0x11d: {  	v18 =	vmul.f32 v18, v20  }
0x11e: {  	[tilespmem:v21+s28+$0x0] =	vst.idx.add.f32.msk $0xffff, v19  }
0x11f: {  	[tilespmem:v51+s28+$0x0] =	vst.idx.add.f32.msk $0xffff, v18  }
0x120: {  	v18 =	vld [tilespmem:s8+$0x20];
	_ =	sdelay $0x4  }
0x121: {  	v19 =	vshll.u32 v18, $0x1  }
0x122: {  	v52 =	vor.u32 $0x1, v19  }
0x123: {  	v21 =	vld [tilespmem:s8+$0x5020];
	_ =	sdelay $0x1  }
0x124: {  	v18 =	vld.idx.msk [tilespmem:v18+s24+$0x0], $0xffff  }
0x125: {  	v19 =	vld.idx.msk [tilespmem:v19+s22+$0x0], $0xffff  }
0x126: {  	v20 =	vld.idx.msk [tilespmem:v52+s22+$0x0], $0xffff  }
0x127: {  	v21 =	vshll.u32 v21, $0x1  }
0x128: {  	v53 =	vor.u32 $0x1, v21;
	_ =	sdelay $0x1  }
0x129: {  	v19 =	vmul.f32 v18, v19  }
0x12a: {  	v18 =	vmul.f32 v18, v20  }
0x12b: {  	[tilespmem:v21+s28+$0x0] =	vst.idx.add.f32.msk $0xffff, v19  }
0x12c: {  	[tilespmem:v53+s28+$0x0] =	vst.idx.add.f32.msk $0xffff, v18  }
0x12d: {  	v18 =	vld [tilespmem:s8+$0x30];
	_ =	sdelay $0x4  }
0x12e: {  	v19 =	vshll.u32 v18, $0x1  }
0x12f: {  	v54 =	vor.u32 $0x1, v19  }
0x130: {  	v21 =	vld [tilespmem:s8+$0x5030];
	_ =	sdelay $0x1  }
0x131: {  	v18 =	vld.idx.msk [tilespmem:v18+s24+$0x0], $0xffff  }
0x132: {  	v19 =	vld.idx.msk [tilespmem:v19+s22+$0x0], $0xffff  }
0x133: {  	v20 =	vld.idx.msk [tilespmem:v54+s22+$0x0], $0xffff  }
0x134: {  	v21 =	vshll.u32 v21, $0x1  }
0x135: {  	v55 =	vor.u32 $0x1, v21;
	_ =	sdelay $0x1  }
0x136: {  	v19 =	vmul.f32 v18, v19  }
0x137: {  	v18 =	vmul.f32 v18, v20  }
0x138: {  	[tilespmem:v21+s28+$0x0] =	vst.idx.add.f32.msk $0xffff, v19  }
0x139: {  	[tilespmem:v55+s28+$0x0] =	vst.idx.add.f32.msk $0xffff, v18  }
0x13a: {  	v18 =	vld [tilespmem:s8+$0x40];
	_ =	sdelay $0x4  }
0x13b: {  	v19 =	vshll.u32 v18, $0x1  }
0x13c: {  	v56 =	vor.u32 $0x1, v19  }
0x13d: {  	v21 =	vld [tilespmem:s8+$0x5040];
	_ =	sdelay $0x1  }
0x13e: {  	v18 =	vld.idx.msk [tilespmem:v18+s24+$0x0], $0xffff  }
0x13f: {  	v19 =	vld.idx.msk [tilespmem:v19+s22+$0x0], $0xffff  }
0x140: {  	v20 =	vld.idx.msk [tilespmem:v56+s22+$0x0], $0xffff  }
0x141: {  	v21 =	vshll.u32 v21, $0x1  }
0x142: {  	v57 =	vor.u32 $0x1, v21;
	_ =	sdelay $0x1  }
0x143: {  	v19 =	vmul.f32 v18, v19  }
0x144: {  	v18 =	vmul.f32 v18, v20  }
0x145: {  	[tilespmem:v21+s28+$0x0] =	vst.idx.add.f32.msk $0xffff, v19  }
0x146: {  	[tilespmem:v57+s28+$0x0] =	vst.idx.add.f32.msk $0xffff, v18  }
0x147: {  	v18 =	vld [tilespmem:s8+$0x50];
	_ =	sdelay $0x4  }
0x148: {  	v19 =	vshll.u32 v18, $0x1  }
0x149: {  	v58 =	vor.u32 $0x1, v19  }
0x14a: {  	v21 =	vld [tilespmem:s8+$0x5050];
	_ =	sdelay $0x1  }
0x14b: {  	v18 =	vld.idx.msk [tilespmem:v18+s24+$0x0], $0xffff  }
0x14c: {  	v19 =	vld.idx.msk [tilespmem:v19+s22+$0x0], $0xffff  }
0x14d: {  	v20 =	vld.idx.msk [tilespmem:v58+s22+$0x0], $0xffff  }
0x14e: {  	v21 =	vshll.u32 v21, $0x1  }
0x14f: {  	v59 =	vor.u32 $0x1, v21;
	_ =	sdelay $0x1  }
0x150: {  	v19 =	vmul.f32 v18, v19  }
0x151: {  	v18 =	vmul.f32 v18, v20  }
0x152: {  	[tilespmem:v21+s28+$0x0] =	vst.idx.add.f32.msk $0xffff, v19  }
0x153: {  	[tilespmem:v59+s28+$0x0] =	vst.idx.add.f32.msk $0xffff, v18  }
0x154: {  	v18 =	vld [tilespmem:s8+$0x60];
	_ =	sdelay $0x4  }
0x155: {  	v19 =	vshll.u32 v18, $0x1  }
0x156: {  	v60 =	vor.u32 $0x1, v19  }
0x157: {  	v21 =	vld [tilespmem:s8+$0x5060];
	_ =	sdelay $0x1  }
0x158: {  	v18 =	vld.idx.msk [tilespmem:v18+s24+$0x0], $0xffff  }
0x159: {  	v19 =	vld.idx.msk [tilespmem:v19+s22+$0x0], $0xffff  }
0x15a: {  	v20 =	vld.idx.msk [tilespmem:v60+s22+$0x0], $0xffff  }
0x15b: {  	v21 =	vshll.u32 v21, $0x1  }
0x15c: {  	v61 =	vor.u32 $0x1, v21;
	_ =	sdelay $0x1  }
0x15d: {  	v19 =	vmul.f32 v18, v19  }
0x15e: {  	v18 =	vmul.f32 v18, v20  }
0x15f: {  	[tilespmem:v21+s28+$0x0] =	vst.idx.add.f32.msk $0xffff, v19  }
0x160: {  	[tilespmem:v61+s28+$0x0] =	vst.idx.add.f32.msk $0xffff, v18  }
0x161: {  	v18 =	vld [tilespmem:s8+$0x70];
	_ =	sdelay $0x4  }
0x162: {  	v19 =	vshll.u32 v18, $0x1  }
0x163: {  	v62 =	vor.u32 $0x1, v19  }
0x164: {  	v21 =	vld [tilespmem:s8+$0x5070];
	_ =	sdelay $0x1  }
0x165: {  	v18 =	vld.idx.msk [tilespmem:v18+s24+$0x0], $0xffff  }
0x166: {  	v19 =	vld.idx.msk [tilespmem:v19+s22+$0x0], $0xffff  }
0x167: {  	v20 =	vld.idx.msk [tilespmem:v62+s22+$0x0], $0xffff  }
0x168: {  	v21 =	vshll.u32 v21, $0x1  }
0x169: {  	p1 =	sne.s32 s7, $0x13A00;
	v63 =	vor.u32 $0x1, v21  }
.Ltmp2:
0x16a: {  	_ = 	snop;
	(pc) =	sbr.rel @p1 .LBB2_6-.Ltmp2, $4  }
0x16b: {  	v19 =	vmul.f32 v18, v19  }
0x16c: {  	v18 =	vmul.f32 v18, v20  }
0x16d: {  	[tilespmem:v21+s28+$0x0] =	vst.idx.add.f32.msk $0xffff, v19  }
0x16e: {  	s7 =	sadd.s32 $0x200, s7;
	[tilespmem:v63+s28+$0x0] =	vst.idx.add.f32.msk $0xffff, v18  }
0x16f: {  	[spmem:s12] =	stream.strided.scatter [tilespmem:s28], [sflag:$0x2], $0x5000, s1, s0, $0x38;
	[tilespmem:$0x1EC80] =	vst v63  }
0x170: {  	_ =	swait.ge [sflag:s29], $0x5000  }
0x171: {  	[sflag:s29] =	ssyncset.done $0x0  }
0x172: {  	[sflag:s29] =	ssyncadd.s32 $0xFFFFB000  }
0x173: {  	[bflag:$0x0] =	sbarrier.arrive $0xFFFF  }
0x174: {  	v37 =	vld [tilespmem:$0x19800]  }
0x175: {  	v40 =	vld.idx.msk [tilespmem:v0+s25+$0x0], $0xffff  }
0x176: {  	v34 =	vld [tilespmem:$0x19810]  }
0x177: {  	v38 =	vld.idx.msk [tilespmem:v2+s25+$0x0], $0xffff  }
0x178: {  	v31 =	vld [tilespmem:$0x19820]  }
0x179: {  	v35 =	vld.idx.msk [tilespmem:v3+s25+$0x0], $0xffff  }
0x17a: {  	v29 =	vld [tilespmem:$0x19830]  }
0x17b: {  	v32 =	vld.idx.msk [tilespmem:v4+s25+$0x0], $0xffff  }
0x17c: {  	v26 =	vld [tilespmem:$0x19840]  }
0x17d: {  	v30 =	vld.idx.msk [tilespmem:v5+s25+$0x0], $0xffff  }
0x17e: {  	v23 =	vld [tilespmem:$0x19850]  }
0x17f: {  	v27 =	vld.idx.msk [tilespmem:v6+s25+$0x0], $0xffff  }
0x180: {  	v21 =	vld [tilespmem:$0x19860]  }
0x181: {  	v24 =	vld.idx.msk [tilespmem:v7+s25+$0x0], $0xffff  }
0x182: {  	v20 =	vld [tilespmem:$0x19870]  }
0x183: {  	v22 =	vld.idx.msk [tilespmem:v8+s25+$0x0], $0xffff  }
0x184: {  	v18 =	vld.msk [tilespmem:s26+$0x0], $0xffff  }
0x185: {  	v43 =	vld.idx.msk [tilespmem:v9+s25+$0x0], $0xffff  }
0x186: {  	v42 =	vld.idx.msk [tilespmem:v10+s25+$0x0], $0xffff  }
0x187: {  	v41 =	vld.idx.msk [tilespmem:v11+s25+$0x0], $0xffff  }
0x188: {  	v39 =	vld.idx.msk [tilespmem:v12+s25+$0x0], $0xffff  }
0x189: {  	v36 =	vld.idx.msk [tilespmem:v13+s25+$0x0], $0xffff  }
0x18a: {  	v33 =	vld.idx.msk [tilespmem:v14+s25+$0x0], $0xffff  }
0x18b: {  	v28 =	vld.idx.msk [tilespmem:v15+s25+$0x0], $0xffff  }
0x18c: {  	s7 =	simm.s32 $0x0;
	v25 =	vld.idx.msk [tilespmem:v16+s25+$0x0], $0xffff  }
0x18d: {  	v19 =	vld.idx.msk [tilespmem:v17+s26+$0x0], $0xffff;
	[tilespmem:s21], [sflag:$0x2] =	stream.strided.gather [spmem:s15], $0x2800, s3, s2, $0x38  }
0x18e: {  	s8 =	sand.u32 $0x70, s7;
	s7 =	sand.u32 $0x1C00, s7;
	_ =	swait.ge [sflag:s29], $0x2800  }
0x18f: {  	s7 =	sor.u32 s8, s7;
	[sflag:s29] =	ssyncset.done $0x0  }
0x190: {  	s8 =	sadd.s32 $0x16800, s7;
	[sflag:s29] =	ssyncadd.s32 $0xFFFFD800  }
0x191: {  	v44 =	vld [tilespmem:s8+$0x80]  }
0x192: {  	v45 =	vld [tilespmem:s7+$0x16800];
	_ =	sdelay $0x1  }
0x193: {  	v46 =	vld [tilespmem:s8+$0x100];
	_ =	sdelay $0x1  }
0x194: {  	v47 =	vld [tilespmem:s8+$0x180]  }
0x195: {  	v44 =	vadd.f32 v44, v45  }
0x196: {  	v52 =	vld [tilespmem:s8+$0x200]  }
0x197: {  	v44 =	vadd.f32 v46, v44  }
0x198: {  	v53 =	vld [tilespmem:s8+$0x280]  }
0x199: {  	v44 =	vadd.f32 v47, v44  }
0x19a: {  	v54 =	vld [tilespmem:s8+$0x300]  }
0x19b: {  	v44 =	vadd.f32 v52, v44  }
0x19c: {  	v55 =	vld [tilespmem:s8+$0x380]  }
0x19d: {  	v44 =	vadd.f32 v53, v44  }
0x19e: {  	v56 =	vld [tilespmem:s7+$0x17C00]  }
0x19f: {  	v44 =	vadd.f32 v54, v44  }
0x1a0: {  	v57 =	vld [tilespmem:s7+$0x17C80]  }
0x1a1: {  	v44 =	vadd.f32 v55, v44  }
0x1a2: {  	v58 =	vld [tilespmem:s7+$0x17D00]  }
0x1a3: {  	v44 =	vadd.f32 v56, v44  }
0x1a4: {  	v59 =	vld [tilespmem:s7+$0x17D80]  }
0x1a5: {  	v44 =	vadd.f32 v57, v44  }
0x1a6: {  	v60 =	vld [tilespmem:s7+$0x17E00]  }
0x1a7: {  	v44 =	vadd.f32 v58, v44  }
0x1a8: {  	v61 =	vld [tilespmem:s7+$0x17E80]  }
0x1a9: {  	v44 =	vadd.f32 v59, v44  }
0x1aa: {  	v62 =	vld [tilespmem:s7+$0x17F00]  }
0x1ab: {  	v44 =	vadd.f32 v60, v44  }
0x1ac: {  	v63 =	vld [tilespmem:s7+$0x17F80]  }
0x1ad: {  	v44 =	vadd.f32 v61, v44;
	_ =	sdelay $0x1  }
0x1ae: {  	v44 =	vadd.f32 v62, v44  }
0x1af: {  	s10 =	simm.s32 $0x10;
	s9 =	simm.s32 $0x80  }
0x1b0: {  	s11 =	sand.u32 $0x70, s10;
	s10 =	sand.u32 $0x1C00, s9;
	v44 =	vadd.f32 v63, v44  }
0x1b1: {  	s7 =	simm.s32 $0x19000;
	s8 =	sor.u32 s11, s10;
	s10 =	simm.s32 $0x20  }
.LBB2_8:
0x1b2: {  	p1 =	sne.s32 s10, $0x270;
	s11 =	sadd.s32 $0x16800, s8;
	[tilespmem:s7+$0x0] =	vst v44  }
0x1b3: {  	v44 =	vld [tilespmem:s11+$0x80]  }
0x1b4: {  	v45 =	vld [tilespmem:s8+$0x16800];
	_ =	sdelay $0x1  }
0x1b5: {  	v46 =	vld [tilespmem:s11+$0x100];
	_ =	sdelay $0x1  }
0x1b6: {  	v47 =	vld [tilespmem:s11+$0x180]  }
0x1b7: {  	v44 =	vadd.f32 v44, v45  }
0x1b8: {  	v45 =	vld [tilespmem:s11+$0x200]  }
0x1b9: {  	v44 =	vadd.f32 v46, v44  }
0x1ba: {  	v46 =	vld [tilespmem:s11+$0x280]  }
0x1bb: {  	v44 =	vadd.f32 v47, v44  }
0x1bc: {  	v47 =	vld [tilespmem:s11+$0x300]  }
0x1bd: {  	v44 =	vadd.f32 v45, v44  }
0x1be: {  	v45 =	vld [tilespmem:s11+$0x380]  }
0x1bf: {  	v44 =	vadd.f32 v46, v44  }
0x1c0: {  	v46 =	vld [tilespmem:s8+$0x17C00]  }
0x1c1: {  	v44 =	vadd.f32 v47, v44  }
0x1c2: {  	v47 =	vld [tilespmem:s8+$0x17C80]  }
0x1c3: {  	v44 =	vadd.f32 v45, v44  }
0x1c4: {  	v45 =	vld [tilespmem:s8+$0x17D00]  }
0x1c5: {  	v44 =	vadd.f32 v46, v44  }
0x1c6: {  	v46 =	vld [tilespmem:s8+$0x17D80]  }
0x1c7: {  	v44 =	vadd.f32 v47, v44  }
0x1c8: {  	v47 =	vld [tilespmem:s8+$0x17E00]  }
0x1c9: {  	v44 =	vadd.f32 v45, v44  }
0x1ca: {  	v45 =	vld [tilespmem:s8+$0x17E80]  }
0x1cb: {  	v44 =	vadd.f32 v46, v44  }
0x1cc: {  	v46 =	vld [tilespmem:s8+$0x17F00]  }
0x1cd: {  	v44 =	vadd.f32 v47, v44  }
0x1ce: {  	v47 =	vld [tilespmem:s8+$0x17F80]  }
0x1cf: {  	v44 =	vadd.f32 v45, v44  }
.Ltmp3:
0x1d0: {  	(pc) =	sbr.rel @p1 .LBB2_8-.Ltmp3, $4  }
0x1d1: {  	v44 =	vadd.f32 v46, v44  }
0x1d2: {  	s9 =	sadd.s32 $0x80, s9  }
0x1d3: {  	s11 =	sand.u32 $0x1C00, s9;
	s8 =	sand.u32 $0x70, s10;
	v44 =	vadd.f32 v47, v44  }
0x1d4: {  	s7 =	sadd.s32 $0x10, s7;
	s10 =	sadd.s32 $0x10, s10;
	s8 =	sor.u32 s8, s11  }
0x1d5: {  	s9 =	sadd.s32 $0x16800, s8;
	[tilespmem:s7+$0x0] =	vst v44  }
0x1d6: {  	v44 =	vld [tilespmem:s9+$0x80]  }
0x1d7: {  	v45 =	vld [tilespmem:s8+$0x16800];
	_ =	sdelay $0x1  }
0x1d8: {  	v46 =	vld [tilespmem:s9+$0x100];
	_ =	sdelay $0x1  }
0x1d9: {  	v47 =	vld [tilespmem:s9+$0x180]  }
0x1da: {  	v44 =	vadd.f32 v44, v45  }
0x1db: {  	v59 =	vld [tilespmem:s9+$0x200]  }
0x1dc: {  	v44 =	vadd.f32 v46, v44  }
0x1dd: {  	v60 =	vld [tilespmem:s9+$0x280]  }
0x1de: {  	v44 =	vadd.f32 v47, v44  }
0x1df: {  	v61 =	vld [tilespmem:s9+$0x300]  }
0x1e0: {  	v44 =	vadd.f32 v59, v44  }
0x1e1: {  	v40 =	vmul.f32 v40, v37;
	v62 =	vld [tilespmem:s9+$0x380]  }
0x1e2: {  	v63 =	vmul.f32 v43, v37;
	v44 =	vadd.f32 v60, v44  }
0x1e3: {  	v38 =	vmul.f32 v38, v34;
	v48 =	vld [tilespmem:s8+$0x17C00];
	v40 =	vadd.f32 $0.0e+00, v40  }
0x1e4: {  	v49 =	vmul.f32 v42, v34;
	v37 =	vadd.f32 $0.0e+00, v63;
	v44 =	vadd.f32 v61, v44  }
0x1e5: {  	v35 =	vmul.f32 v35, v31;
	v50 =	vld [tilespmem:s8+$0x17C80];
	v38 =	vadd.f32 v38, v40  }
0x1e6: {  	v52 =	vmul.f32 v41, v31;
	v34 =	vadd.f32 v49, v37;
	v51 =	vadd.f32 v62, v44  }
0x1e7: {  	v32 =	vmul.f32 v32, v29;
	v53 =	vld [tilespmem:s8+$0x17D00];
	v35 =	vadd.f32 v35, v38  }
0x1e8: {  	v55 =	vmul.f32 v39, v29;
	v31 =	vadd.f32 v52, v34;
	v54 =	vadd.f32 v48, v51  }
0x1e9: {  	v30 =	vmul.f32 v30, v26;
	v56 =	vld [tilespmem:s8+$0x17D80];
	v32 =	vadd.f32 v32, v35  }
0x1ea: {  	v26 =	vmul.f32 v36, v26;
	v29 =	vadd.f32 v55, v31;
	v57 =	vadd.f32 v50, v54  }
0x1eb: {  	v27 =	vmul.f32 v27, v23;
	v58 =	vld [tilespmem:s8+$0x17E00];
	v30 =	vadd.f32 v30, v32  }
0x1ec: {  	v23 =	vmul.f32 v33, v23;
	v26 =	vadd.f32 v26, v29;
	v59 =	vadd.f32 v53, v57  }
0x1ed: {  	v24 =	vmul.f32 v24, v21;
	v27 =	vadd.f32 v27, v30;
	v60 =	vld [tilespmem:s8+$0x17E80]  }
0x1ee: {  	v21 =	vmul.f32 v28, v21;
	v23 =	vadd.f32 v23, v26;
	v61 =	vadd.f32 v56, v59  }
0x1ef: {  	v22 =	vmul.f32 v22, v20;
	v26 =	vld [tilespmem:s8+$0x17F00];
	v24 =	vadd.f32 v24, v27  }
0x1f0: {  	v20 =	vmul.f32 v25, v20;
	s11 =	sadd.s32 $0x0, s20;
	v21 =	vadd.f32 v21, v23;
	v27 =	vadd.f32 v58, v61  }
0x1f1: {  	v23 =	vld [tilespmem:s8+$0x17F80];
	v22 =	vadd.f32 v22, v24;
	v24 =	vmov s11  }
0x1f2: {  	v20 =	vadd.f32 v20, v21;
	v21 =	vshll.u32 v24, $0x1;
	v25 =	vadd.f32 v60, v27  }
0x1f3: {  	(xrf2) =	vadd.scan.msk.f32 $0xffff, v22;
	v22 =	vor.u32 v0, v21  }
0x1f4: {  	v24 =	vor.u32 $0x1, v22;
	v21 =	vadd.f32 v26, v25  }
0x1f5: {  	s9 =	simm.s32 $0x0  }
0x1f6: {  	(xrf2) =	vadd.scan.msk.f32 $0xffff, v20;
	v20 =	vmov s9;
	v21 =	vadd.f32 v23, v21  }
0x1f7: {  	s10 =	sadd.s32 $0x10, s7;
	v20 =	vshll.u32 v20, $0x1  }
0x1f8: {  	v20 =	vor.u32 v0, v20;
	[tilespmem:s10+$0x0] =	vst v21  }
0x1f9: {  	v21 =	vor.u32 $0x1, v20;
	v23 =	vld.idx.msk [tilespmem:v24+s22+$0x0], $0xffff  }
0x1fa: {  	v24 =	vld.idx.msk [tilespmem:v22+s22+$0x0], $0xffff  }
0x1fb: {  	v22 =	vld [tilespmem:s19+$0x0];
	_ =	sdelay $0x1  }
0x1fc: {  	v25 =	vld.idx.msk [tilespmem:v20+s30+$0x0], $0xffff  }
0x1fd: {  	v27 =	vld.idx.msk [tilespmem:v21+s30+$0x0], $0xffff  }
0x1fe: {  	v26, _, _ =	vpop (xrf2)  }
0x1ff: {  	v62, _, _ =	vpop (xrf2);
	v26 =	vbroadcast v26, $0xF;
	v24 =	vmul.f32 v24, v22  }
0x200: {  	s11 =	sadd.s32 $0x10, s20;
	v28 =	vbroadcast v62, $0xF;
	v63 =	vmul.f32 v23, v22  }
0x201: {  	v18 =	vadd.f32 v26, v18;
	v26 =	vmov s11;
	v23 =	vadd.f32 v24, v25  }
0x202: {  	s7 =	smov.u32 s19;
	s8 =	simm.s32 $0x10;
	s9 =	simm.s32 $0x20;
	v19 =	vadd.f32 v28, v19;
	v25 =	vshll.u32 v26, $0x1;
	v24 =	vadd.f32 v63, v27  }
.LBB2_10:
0x203: {  	p1 =	sne.s32 s9, $0x130;
	v25 =	vor.u32 v0, v25;
	v23 =	vmul.f32 v23, v22  }
0x204: {  	v26 =	vor.u32 $0x1, v25;
	v22 =	vmul.f32 v24, v22  }
0x205: {  	v24 =	vmov s8;
	s8 =	smov.u32 s9;
	v23 =	vadd.f32 v23, v18  }
0x206: {  	v24 =	vshll.u32 v24, $0x1;
	v22 =	vadd.f32 v22, v19  }
0x207: {  	[tilespmem:v20+s23+$0x0] =	vst.idx.msk $0xffff, v23;
	v20 =	vor.u32 v0, v24  }
0x208: {  	[tilespmem:v21+s23+$0x0] =	vst.idx.msk $0xffff, v22;
	v21 =	vor.u32 $0x1, v20  }
0x209: {  	v23 =	vld.idx.msk [tilespmem:v26+s22+$0x0], $0xffff  }
0x20a: {  	s7 =	sadd.s32 $0x10, s7;
	v24 =	vld.idx.msk [tilespmem:v25+s22+$0x0], $0xffff  }
0x20b: {  	v22 =	vld [tilespmem:s7+$0x0]  }
0x20c: {  	v25 =	vld.idx.msk [tilespmem:v20+s30+$0x0], $0xffff  }
0x20d: {  	v26 =	vld.idx.msk [tilespmem:v21+s30+$0x0], $0xffff;
	_ =	sdelay $0x1  }
.Ltmp4:
0x20e: {  	(pc) =	sbr.rel @p1 .LBB2_10-.Ltmp4, $4  }
0x20f: {  	v24 =	vmul.f32 v24, v22  }
0x210: {  	s10 =	sadd.s32 s9, s20;
	v27 =	vmul.f32 v23, v22  }
0x211: {  	v28 =	vmov s10;
	v23 =	vadd.f32 v24, v25  }
0x212: {  	s9 =	sadd.s32 $0x10, s9;
	v25 =	vshll.u32 v28, $0x1;
	v24 =	vadd.f32 v27, v26  }
0x213: {  	v23 =	vmul.f32 v23, v22  }
0x214: {  	v25 =	vor.u32 v0, v25;
	v59 =	vmul.f32 v24, v22  }
0x215: {  	v60 =	vmov s8;
	v23 =	vadd.f32 v23, v18  }
0x216: {  	v26 =	vor.u32 $0x1, v25;
	v24 =	vshll.u32 v60, $0x1;
	v22 =	vadd.f32 v59, v19  }
0x217: {  	v24 =	vor.u32 v0, v24;
	[tilespmem:v20+s23+$0x0] =	vst.idx.msk $0xffff, v23  }
0x218: {  	v61 =	vor.u32 $0x1, v24;
	[tilespmem:v21+s23+$0x0] =	vst.idx.msk $0xffff, v22  }
0x219: {  	s7 =	sadd.s32 $0x10, s7;
	v21 =	vld.idx.msk [tilespmem:v25+s22+$0x0], $0xffff  }
0x21a: {  	v22 =	vld [tilespmem:s7+$0x0]  }
0x21b: {  	v23 =	vld.idx.msk [tilespmem:v26+s22+$0x0], $0xffff  }
0x21c: {  	v62 =	vld.idx.msk [tilespmem:v24+s30+$0x0], $0xffff  }
0x21d: {  	v63 =	vld.idx.msk [tilespmem:v61+s30+$0x0], $0xffff;
	_ =	sdelay $0x1  }
0x21e: {  	v21 =	vmul.f32 v21, v22  }
0x21f: {  	v23 =	vmul.f32 v23, v22  }
0x220: {  	v21 =	vadd.f32 v21, v62  }
0x221: {  	v23 =	vadd.f32 v23, v63  }
0x222: {  	v21 =	vmul.f32 v21, v22  }
0x223: {  	v22 =	vmul.f32 v23, v22  }
0x224: {  	v18 =	vadd.f32 v21, v18  }
0x225: {  	v19 =	vadd.f32 v22, v19  }
0x226: {  	[tilespmem:v24+s23+$0x0] =	vst.idx.msk $0xffff, v18  }
0x227: {  	s8 =	simm.s32 @p0 $0x19500;
	s7 =	simm.s32 @p0 $0x0;
	[tilespmem:v61+s23+$0x0] =	vst.idx.msk $0xffff, v19  }
0x228: {  	[hbm4b:s17+s7] =	stream.linear.scatter @p0 [tilespmem:s8], [sflag:$0x2], $0xA0, $0x38;
	[tilespmem:$0x1EC80] =	vst v63  }
0x229: {  	s7 =	simm.s32 @p0 $0x2  }
0x22a: {  	s5 =	sadd.s32 $0x1, s5;
	_ =	swait.ge @p0 [sflag:s7], $0xA0  }
0x22b: {  	p1 =	sne.s32 s5, s18;
	[sflag:s7] =	ssyncset.done @p0 $0x0  }
0x22c: {  	s8 =	simm.s32 @!p0 $0x19500;
	[sflag:s7] =	ssyncadd.s32 @p0 $0xFFFFFF60;
	s7 =	simm.s32 @!p0 $0x0  }
0x22d: {  	[hbm4b:s16+s7] =	stream.linear.scatter @!p0 [tilespmem:s8], [sflag:$0x2], $0x280, $0x38;
	[tilespmem:$0x1EC80] =	vst v63  }
.Ltmp5:
0x22e: {  	_ = 	snop;
	(pc) =	sbr.rel @p1 .LBB2_1-.Ltmp5, $4  }
0x22f: {  	s7 =	simm.s32 @!p0 $0x2  }
0x230: {  	_ =	swait.ge @!p0 [sflag:s7], $0x280  }
0x231: {  	[sflag:s7] =	ssyncset.done @!p0 $0x0  }
0x232: {  	[sflag:s7] =	ssyncadd.s32 @!p0 $0xFFFFFD80  }
0x233: {  	_ =	sfence.sel $0x180000  }
0x234: {  	[bflag:$0x0] =	sbarrier.arrive $0xFFFF  }
0x235: {  	_ =	strace $0x90000047  }
0x236: {  	s0 =	stileid.u32;
	[bflag:$0x2] =	sbarrier.arrive $0xFFFF  }
0x237: {  	p0 =	sne.s32 s0, $0x0;
	s0 =	rddreg [dreg:$0x4]  }
0x238: {  	s0 =	sadd.s32 @!p0 $0x100000, s0  }
0x239: {  	[sflag:s0] =	ssyncadd.tile.s32 @!p0 $0x1;
	_ =	shalt  }
.Lfunc_end2:
_tile_overlayer_lowered:
.L_overlay_start_2:
0x23a: {  	(tag) =	ssettag $0x2  }
0x23b: {  	s0 =	rddreg [dreg:$0x0];
	s2 =	stileid.u32  }
0x23c: {  	s1 =	rddreg [dreg:$0x1];
	p0 =	sne.s32 s2, $0x0  }
0x23d: {  	s3 =	rddreg [dreg:$0x2];
	[bflag:$0x3] =	sbarrier.arrive $0xFFFF;
	s2 =	simm.s32 @!p0 $0x1C02  }
0x23e: {  	[timem:s3], [sflag:s2] =	dma.local @!p0 [hbm:s0], s1  }
0x23f: {  	s0 =	simm.s32 @!p0 $0x2  }
0x240: {  	_ =	swait.ge @!p0 [sflag:s0], s1  }
0x241: {  	s1 =	ssub.s32 @!p0 $0x0, s1;
	[sflag:s0] =	ssyncset.done @!p0 $0x0  }
0x242: {  	[sflag:s0] =	ssyncadd.s32 @!p0 s1  }
0x243: {  	[bflag:$0x3] =	sbarrier.arrive $0xFFFF  }
0x244: {  	_ =	shalt  }

</sc_bundles>
